<compile_context>
chip_gen: v7x
topology: tpu7x:2x2x1
jax: 0.10.2.dev20260603
libtpu: 0.0.44.dev20260713+nightly
codegen_flags: <defaults>
</compile_context>

<pallas_src>
import jax
import jax.numpy as jnp
from jax import lax
from jax.experimental import pallas as pl
from jax.experimental.pallas import tpu as pltpu
from jax.experimental.pallas import tpu_sc as plsc

NC = 2
NS = 16
NW = NC * NS
B = 16384
SEQ = 50
D = 32

ROWS_W = B // NW
NB = 64
NCHUNK = ROWS_W // NB
T = NB * SEQ
NCHAIN = 4


def _body(tok_hbm, tab_hbm, out_hbm,
          tok_a, rows_a, tok_b, rows_b, sums_v, inv_v, w0_v, row0_v,
          stab, sem_a, sem_b):
    cid = lax.axis_index("c")
    sid = lax.axis_index("s")
    wid = sid * NC + cid
    base_row = wid * ROWS_W

    pltpu.sync_copy(tab_hbm.at[pl.ds(0, 1)], row0_v)

    pltpu.sync_copy(tab_hbm.at[pl.ds(sid * 625, 625)],
                    stab.at[pl.ds(sid * 625, 625)])
    plsc.subcore_barrier()

    def stage(c, tok_v, rows_v, sem):
        row0 = base_row + c * NB
        pltpu.sync_copy(tok_hbm.at[pl.ds(row0 * SEQ, T)], tok_v)
        pltpu.async_copy(stab.at[tok_v], rows_v, sem)

    def finish(c, tok_v, rows_v, sem):

        def count_grp(g, carry):
            lanes50 = lax.iota(jnp.int32, 16) * SEQ + g * (16 * SEQ)

            def cl(l, cnt):
                t = plsc.load_gather(tok_v, [lanes50 + l])
                return cnt + jnp.where(t != 0, 1, 0)

            cnt = lax.fori_loop(0, SEQ, cl, jnp.zeros((16,), jnp.int32))
            cntf = cnt.astype(jnp.float32)
            inv = 1.0 / jnp.maximum(cntf, 1.0)
            inv_v[pl.ds(g * 16, 16)] = inv
            w0_v[pl.ds(g * 16, 16)] = (float(SEQ) - cntf) * inv
            return carry

        lax.fori_loop(0, NB // 16, count_grp, 0)

        r0e, r0o = plsc.unpack(
            row0_v[0, pl.ds(0, 32)], format=plsc.PackFormat.INTERLEAVED)
        lane = lax.iota(jnp.int32, 16)
        half = lane >> 1
        is_ev = (lane & 1) == 0

        def _splat16(x, idx):
            return lax.gather(
                x, idx.reshape(16, 1),
                lax.GatherDimensionNumbers(
                    offset_dims=(), collapsed_slice_dims=(0,),
                    start_index_map=(0,)),
                (1,),
                mode=lax.GatherScatterMode.PROMISE_IN_BOUNDS)

        pltpu.make_async_copy(stab.at[tok_v], rows_v, sem).wait()

        def acc_body(i, carry):
            r0 = i * SEQ
            si = plsc.load_gather(inv_v, [jnp.full((16,), i, jnp.int32)])
            sw = plsc.load_gather(w0_v, [jnp.full((16,), i, jnp.int32)])

            parts = []
            for g in range(SEQ // 4):
                b = r0 + 4 * g
                s01 = rows_v[b, pl.ds(0, 32)] + rows_v[b + 1, pl.ds(0, 32)]
                s23 = rows_v[b + 2, pl.ds(0, 32)] + rows_v[b + 3, pl.ds(0, 32)]
                parts.append(s01 + s23)
            parts.append(
                rows_v[r0 + 48, pl.ds(0, 32)] + rows_v[r0 + 49, pl.ds(0, 32)])
            ev, od = [], []
            for k, p in enumerate(parts):
                e, o = plsc.unpack(p, format=plsc.PackFormat.INTERLEAVED)
                if k < NCHAIN:
                    ev.append(e)
                    od.append(o)
                else:
                    ev[k % NCHAIN] = ev[k % NCHAIN] + e
                    od[k % NCHAIN] = od[k % NCHAIN] + o
            a0 = (ev[0] + ev[1]) + (ev[2] + ev[3])
            a1 = (od[0] + od[1]) + (od[2] + od[3])
            a0 = a0 * si - sw * r0e
            a1 = a1 * si - sw * r0o
            lo = jnp.where(is_ev, _splat16(a0, half), _splat16(a1, half))
            hi = jnp.where(is_ev, _splat16(a0, half + 8), _splat16(a1, half + 8))
            sums_v[i, pl.ds(0, 16)] = lo
            sums_v[i, pl.ds(16, 16)] = hi
            return carry

        lax.fori_loop(0, NB, acc_body, 0)
        pltpu.sync_copy(sums_v, out_hbm.at[pl.ds(base_row + c * NB, NB)])

    stage(0, tok_a, rows_a, sem_a)

    def pair(p, carry):
        c = 2 * p
        stage(c + 1, tok_b, rows_b, sem_b)
        finish(c, tok_a, rows_a, sem_a)

        @pl.when(c + 2 < NCHUNK)
        def _():
            stage(c + 2, tok_a, rows_a, sem_a)

        finish(c + 1, tok_b, rows_b, sem_b)
        return carry

    lax.fori_loop(0, NCHUNK // 2, pair, 0)


@jax.jit
def _run(tok, tab):
    mesh = plsc.VectorSubcoreMesh(core_axis_name="c", subcore_axis_name="s")
    return pl.kernel(
        _body,
        out_type=jax.ShapeDtypeStruct((B, D), jnp.float32),
        mesh=mesh,
        compiler_params=pltpu.CompilerParams(
            use_tc_tiling_on_sc=False, needs_layout_passes=False),
        scratch_types=[
            pltpu.VMEM((T,), jnp.int32),
            pltpu.VMEM((T, D), jnp.bfloat16),
            pltpu.VMEM((T,), jnp.int32),
            pltpu.VMEM((T, D), jnp.bfloat16),
            pltpu.VMEM((NB, D), jnp.float32),
            pltpu.VMEM((NB,), jnp.float32),
            pltpu.VMEM((NB,), jnp.float32),
            pltpu.VMEM((1, D), jnp.bfloat16),
            pltpu.VMEM_SHARED((10000, D), jnp.bfloat16),
            pltpu.SemaphoreType.DMA,
            pltpu.SemaphoreType.DMA,
        ],
    )(tok, tab)


def kernel(token_ids, table):
    return _run(token_ids.reshape(-1), table.astype(jnp.bfloat16))

# --- scband reference (transcript-rebuilt; emitter-appended) ---
"""Pipeline reference for scband-query-model-21285857919653 (READ-ONLY COPY).

The authoritative reference and input builder live on the scoring server;
editing this copy changes nothing except your own understanding.
"""

import jax, jax.numpy as jnp
import numpy as np

MAX_TOKENS = 10000
EMBED_DIM = 32
BATCH = 16384
SEQ_LEN = 50


def setup_inputs(seed: int = 0) -> dict:
    key = jax.random.key(seed)
    k_idx, k_tab = jax.random.split(key)
    # token ids produced by the TextVectorization layer; 0 is the padding/mask id
    token_ids = jax.random.randint(k_idx, (BATCH, SEQ_LEN), 0, MAX_TOKENS, dtype=jnp.int32)
    # learned embedding table (Embedding(max_tokens, 32))
    table = jax.random.normal(k_tab, (MAX_TOKENS, EMBED_DIM), dtype=jnp.float32) * 0.05
    return {"token_ids": token_ids, "table": table}


def reference(token_ids, table):
    # Embedding lookup (gather)
    emb = jnp.take(table, token_ids, axis=0)  # [B, L, D]
    # mask_zero=True: token id 0 is masked out
    mask = (token_ids != 0).astype(jnp.float32)[..., None]  # [B, L, 1]
    # GlobalAveragePooling1D with mask: sum(emb*mask)/sum(mask)
    summed = jnp.sum(emb * mask, axis=1)  # [B, D]
    count = jnp.maximum(jnp.sum(mask, axis=1), 1.0)  # [B, 1]
    pooled = summed / count
    # tf.concat([...], axis=1) with a single element is identity
    out = jnp.concatenate([pooled], axis=1)
    return out

if __name__ == "__main__":
    import jax
    _d = setup_inputs()
    print(jax.jit(kernel)(*tuple(_d.values())))

</pallas_src>

<mosaic_0001>
#map = affine_map<(d0, d1) -> (0)>
#map1 = affine_map<(d0, d1) -> (0, 0)>
module attributes {stable_mosaic.version = 14 : i64} {
  func.func @_body(%arg0: i32, %arg1: i32, %arg2: memref<819200xi32, #tpu.memory_space<hbm>>, %arg3: memref<10000x32xbf16, #tpu.memory_space<hbm>>, %arg4: memref<16384x32xf32, #tpu.memory_space<hbm>>, %arg5: memref<3200xi32, #tpu.memory_space<vmem>>, %arg6: memref<3200x32xbf16, #tpu.memory_space<vmem>>, %arg7: memref<3200xi32, #tpu.memory_space<vmem>>, %arg8: memref<3200x32xbf16, #tpu.memory_space<vmem>>, %arg9: memref<64x32xf32, #tpu.memory_space<vmem>>, %arg10: memref<64xf32, #tpu.memory_space<vmem>>, %arg11: memref<64xf32, #tpu.memory_space<vmem>>, %arg12: memref<1x32xbf16, #tpu.memory_space<vmem>>, %arg13: memref<10000x32xbf16, #tpu.memory_space<vmem_shared>>, %arg14: memref<!tpu.dma_semaphore, #tpu.memory_space<semaphore_mem>>, %arg15: memref<!tpu.dma_semaphore, #tpu.memory_space<semaphore_mem>>) attributes {dimension_semantics = [#tpu.dimension_semantics<core_parallel>, #tpu.dimension_semantics<subcore_parallel>], iteration_bounds = array<i64: 2, 16>, scalar_prefetch = 0 : i64, scratch_operands = 11 : i64, tpu.core_type = #tpu.core_type<sc_vector_subcore>, window_params = [{transform_indices = #map}, {transform_indices = #map1}, {transform_indices = #map1}]} {
    %mul3A = arith.constant 2 : i32
    %mul3A_0 = arith.muli %arg1, %mul3A : i32
    %add3A = arith.addi %mul3A_0, %arg0 : i32
    %mul3A_1 = arith.constant 512 : i32
    %mul3A_2 = arith.muli %add3A, %mul3A_1 : i32
    "tpu.region"() ({
      %run_scoped3A = tpu.sem_alloc : memref<!tpu.dma_semaphore, #tpu.memory_space<semaphore_mem>>
      %dma_start3A_18 = arith.constant 0 : i32
      %dma_start3A_19 = arith.constant 0 : i32
      %dma_start3A_20 = tpu.memref_slice %arg3[%dma_start3A_18, %dma_start3A_19] : memref<10000x32xbf16, #tpu.memory_space<hbm>> -> memref<1x32xbf16, #tpu.memory_space<hbm>>
      %dma_start3A_21 = arith.constant 0 : i32
      %dma_start3A_22 = arith.constant 0 : i32
      %dma_start3A_23 = tpu.memref_slice %arg3[%dma_start3A_21, %dma_start3A_22] : memref<10000x32xbf16, #tpu.memory_space<hbm>> -> memref<1x32xbf16, #tpu.memory_space<hbm>>
      tpu.enqueue_dma source(%dma_start3A_23 : memref<1x32xbf16, #tpu.memory_space<hbm>>) target(%arg12 : memref<1x32xbf16, #tpu.memory_space<vmem>>) target_semaphore(%run_scoped3A : memref<!tpu.dma_semaphore, #tpu.memory_space<semaphore_mem>>)
      %dma_wait3A = arith.constant 0 : i32
      %dma_wait3A_24 = arith.constant 0 : i32
      %dma_wait3A_25 = tpu.memref_slice %arg3[%dma_wait3A, %dma_wait3A_24] : memref<10000x32xbf16, #tpu.memory_space<hbm>> -> memref<1x32xbf16, #tpu.memory_space<hbm>>
      %dma_wait3A_26 = arith.constant 0 : i32
      %dma_wait3A_27 = arith.constant 0 : i32
      %dma_wait3A_28 = tpu.memref_slice %arg3[%dma_wait3A_26, %dma_wait3A_27] : memref<10000x32xbf16, #tpu.memory_space<hbm>> -> memref<1x32xbf16, #tpu.memory_space<hbm>>
      tpu.wait_dma2 semaphore(%run_scoped3A : memref<!tpu.dma_semaphore, #tpu.memory_space<semaphore_mem>>) src(%dma_wait3A_28 : memref<1x32xbf16, #tpu.memory_space<hbm>>) dst(%arg12 : memref<1x32xbf16, #tpu.memory_space<vmem>>)
      tpu.yield
    }) : () -> ()
    %mul3A_3 = arith.constant 625 : i32
    %mul3A_4 = arith.muli %arg1, %mul3A_3 : i32
    %mul3A_5 = arith.constant 625 : i32
    %mul3A_6 = arith.muli %arg1, %mul3A_5 : i32
    "tpu.region"() ({
      %run_scoped3A = tpu.sem_alloc : memref<!tpu.dma_semaphore, #tpu.memory_space<semaphore_mem>>
      %dma_start3A_18 = arith.constant 0 : i32
      %dma_start3A_19 = tpu.memref_slice %arg13[%mul3A_6, %dma_start3A_18] : memref<10000x32xbf16, #tpu.memory_space<vmem_shared>> -> memref<625x32xbf16, #tpu.memory_space<vmem_shared>>
      %dma_start3A_20 = arith.constant 0 : i32
      %dma_start3A_21 = tpu.memref_slice %arg3[%mul3A_4, %dma_start3A_20] : memref<10000x32xbf16, #tpu.memory_space<hbm>> -> memref<625x32xbf16, #tpu.memory_space<hbm>>
      tpu.enqueue_dma source(%dma_start3A_21 : memref<625x32xbf16, #tpu.memory_space<hbm>>) target(%dma_start3A_19 : memref<625x32xbf16, #tpu.memory_space<vmem_shared>>) target_semaphore(%run_scoped3A : memref<!tpu.dma_semaphore, #tpu.memory_space<semaphore_mem>>)
      %dma_wait3A = arith.constant 0 : i32
      %dma_wait3A_22 = tpu.memref_slice %arg13[%mul3A_6, %dma_wait3A] : memref<10000x32xbf16, #tpu.memory_space<vmem_shared>> -> memref<625x32xbf16, #tpu.memory_space<vmem_shared>>
      %dma_wait3A_23 = arith.constant 0 : i32
      %dma_wait3A_24 = tpu.memref_slice %arg3[%mul3A_4, %dma_wait3A_23] : memref<10000x32xbf16, #tpu.memory_space<hbm>> -> memref<625x32xbf16, #tpu.memory_space<hbm>>
      tpu.wait_dma2 semaphore(%run_scoped3A : memref<!tpu.dma_semaphore, #tpu.memory_space<semaphore_mem>>) src(%dma_wait3A_24 : memref<625x32xbf16, #tpu.memory_space<hbm>>) dst(%dma_wait3A_22 : memref<625x32xbf16, #tpu.memory_space<vmem_shared>>)
      tpu.yield
    }) : () -> ()
    %barrier3A = arith.constant 0 : index
    tpu.barrier barrier_id(%barrier3A)
    %add3A_7 = arith.constant 0 : i32
    %add3A_8 = arith.addi %mul3A_2, %add3A_7 : i32
    %mul3A_9 = arith.constant 50 : i32
    %mul3A_10 = arith.muli %add3A_8, %mul3A_9 : i32
    "tpu.region"() ({
      %run_scoped3A = tpu.sem_alloc : memref<!tpu.dma_semaphore, #tpu.memory_space<semaphore_mem>>
      %dma_start3A_18 = tpu.memref_slice %arg2[%mul3A_10] : memref<819200xi32, #tpu.memory_space<hbm>> -> memref<3200xi32, #tpu.memory_space<hbm>>
      %dma_start3A_19 = tpu.memref_slice %arg2[%mul3A_10] : memref<819200xi32, #tpu.memory_space<hbm>> -> memref<3200xi32, #tpu.memory_space<hbm>>
      tpu.enqueue_dma source(%dma_start3A_19 : memref<3200xi32, #tpu.memory_space<hbm>>) target(%arg5 : memref<3200xi32, #tpu.memory_space<vmem>>) target_semaphore(%run_scoped3A : memref<!tpu.dma_semaphore, #tpu.memory_space<semaphore_mem>>)
      %dma_wait3A = tpu.memref_slice %arg2[%mul3A_10] : memref<819200xi32, #tpu.memory_space<hbm>> -> memref<3200xi32, #tpu.memory_space<hbm>>
      %dma_wait3A_20 = tpu.memref_slice %arg2[%mul3A_10] : memref<819200xi32, #tpu.memory_space<hbm>> -> memref<3200xi32, #tpu.memory_space<hbm>>
      tpu.wait_dma2 semaphore(%run_scoped3A : memref<!tpu.dma_semaphore, #tpu.memory_space<semaphore_mem>>) src(%dma_wait3A_20 : memref<3200xi32, #tpu.memory_space<hbm>>) dst(%arg5 : memref<3200xi32, #tpu.memory_space<vmem>>)
      tpu.yield
    }) : () -> ()
    %dma_start3A = arith.constant 0 : i32
    %dma_start3A_11 = arith.constant 0 : i32
    %dma_start3A_12 = tpu.memref_slice %arg13[%dma_start3A, %dma_start3A_11] : memref<10000x32xbf16, #tpu.memory_space<vmem_shared>> -> memref<10000x32xbf16, #tpu.memory_space<vmem_shared>>
    tpu.enqueue_indirect_dma source(%dma_start3A_12 : memref<10000x32xbf16, #tpu.memory_space<vmem_shared>>) target(%arg6 : memref<3200x32xbf16, #tpu.memory_space<vmem>>) offsets(%arg5 : memref<3200xi32, #tpu.memory_space<vmem>>) semaphore(%arg14 : memref<!tpu.dma_semaphore, #tpu.memory_space<semaphore_mem>>)
    %scan3A = arith.constant 0 : i32
    %scan3A_13 = arith.constant 0 : i32
    %scan3A_14 = arith.constant 4 : i32
    %scan3A_15 = arith.addi %scan3A_13, %scan3A_14 : i32
    %scan3A_16 = arith.constant 1 : i32
    scf.for %scan3A_18 = %scan3A_13 to %scan3A_15 step %scan3A_16  : i32 {
      %mul3A_19 = arith.constant 2 : i32
      %mul3A_20 = arith.muli %mul3A_19, %scan3A_18 : i32
      %add3A_21 = arith.constant 1 : i32
      %add3A_22 = arith.addi %mul3A_20, %add3A_21 : i32
      %mul3A_23 = arith.constant 64 : i32
      %mul3A_24 = arith.muli %add3A_22, %mul3A_23 : i32
      %add3A_25 = arith.addi %mul3A_2, %mul3A_24 : i32
      %mul3A_26 = arith.constant 50 : i32
      %mul3A_27 = arith.muli %add3A_25, %mul3A_26 : i32
      "tpu.region"() ({
        %run_scoped3A = tpu.sem_alloc : memref<!tpu.dma_semaphore, #tpu.memory_space<semaphore_mem>>
        %dma_start3A_98 = tpu.memref_slice %arg2[%mul3A_27] : memref<819200xi32, #tpu.memory_space<hbm>> -> memref<3200xi32, #tpu.memory_space<hbm>>
        %dma_start3A_99 = tpu.memref_slice %arg2[%mul3A_27] : memref<819200xi32, #tpu.memory_space<hbm>> -> memref<3200xi32, #tpu.memory_space<hbm>>
        tpu.enqueue_dma source(%dma_start3A_99 : memref<3200xi32, #tpu.memory_space<hbm>>) target(%arg7 : memref<3200xi32, #tpu.memory_space<vmem>>) target_semaphore(%run_scoped3A : memref<!tpu.dma_semaphore, #tpu.memory_space<semaphore_mem>>)
        %dma_wait3A_100 = tpu.memref_slice %arg2[%mul3A_27] : memref<819200xi32, #tpu.memory_space<hbm>> -> memref<3200xi32, #tpu.memory_space<hbm>>
        %dma_wait3A_101 = tpu.memref_slice %arg2[%mul3A_27] : memref<819200xi32, #tpu.memory_space<hbm>> -> memref<3200xi32, #tpu.memory_space<hbm>>
        tpu.wait_dma2 semaphore(%run_scoped3A : memref<!tpu.dma_semaphore, #tpu.memory_space<semaphore_mem>>) src(%dma_wait3A_101 : memref<3200xi32, #tpu.memory_space<hbm>>) dst(%arg7 : memref<3200xi32, #tpu.memory_space<vmem>>)
        tpu.yield
      }) : () -> ()
      %dma_start3A_28 = arith.constant 0 : i32
      %dma_start3A_29 = arith.constant 0 : i32
      %dma_start3A_30 = tpu.memref_slice %arg13[%dma_start3A_28, %dma_start3A_29] : memref<10000x32xbf16, #tpu.memory_space<vmem_shared>> -> memref<10000x32xbf16, #tpu.memory_space<vmem_shared>>
      tpu.enqueue_indirect_dma source(%dma_start3A_30 : memref<10000x32xbf16, #tpu.memory_space<vmem_shared>>) target(%arg8 : memref<3200x32xbf16, #tpu.memory_space<vmem>>) offsets(%arg7 : memref<3200xi32, #tpu.memory_space<vmem>>) semaphore(%arg15 : memref<!tpu.dma_semaphore, #tpu.memory_space<semaphore_mem>>)
      %scan3A_31 = arith.constant 0 : i32
      %scan3A_32 = arith.constant 0 : i32
      %scan3A_33 = arith.constant 4 : i32
      %scan3A_34 = arith.addi %scan3A_32, %scan3A_33 : i32
      %scan3A_35 = arith.constant 1 : i32
      scf.for %scan3A_98 = %scan3A_32 to %scan3A_34 step %scan3A_35  : i32 {
        %iota3A_99 = tpu.iota {dimensions = array<i32: 0>} : vector<16xi32>
        %mul3A_100 = arith.constant 50 : i32
        %mul3A_101 = vector.broadcast %mul3A_100 : i32 to vector<16xi32>
        %mul3A_102 = arith.muli %iota3A_99, %mul3A_101 : vector<16xi32>
        %mul3A_103 = arith.constant 800 : i32
        %mul3A_104 = arith.muli %scan3A_98, %mul3A_103 : i32
        %add3A_105 = vector.broadcast %mul3A_104 : i32 to vector<16xi32>
        %add3A_106 = arith.addi %mul3A_102, %add3A_105 : vector<16xi32>
        %broadcast_in_dim3A = arith.constant 0 : i32
        %broadcast_in_dim3A_107 = vector.broadcast %broadcast_in_dim3A : i32 to vector<16xi32>
        %scan3A_108 = arith.constant 0 : i32
        %scan3A_109 = arith.constant 50 : i32
        %scan3A_110 = arith.addi %scan3A_108, %scan3A_109 : i32
        %scan3A_111 = arith.constant 1 : i32
        %scan3A_112 = scf.for %scan3A_129 = %scan3A_108 to %scan3A_110 step %scan3A_111 iter_args(%scan3A_130 = %broadcast_in_dim3A_107) -> (vector<16xi32>)  : i32 {
          %add3A_131 = vector.broadcast %scan3A_129 : i32 to vector<16xi32>
          %add3A_132 = arith.addi %add3A_106, %add3A_131 : vector<16xi32>
          %gather3A = tpu.vector_load_idx %arg5[%add3A_132] : memref<3200xi32, #tpu.memory_space<vmem>>[vector<16xi32>], vector<16xi32>,
          %ne3A = arith.constant 0 : i32
          %ne3A_133 = vector.broadcast %ne3A : i32 to vector<16xi32>
          %ne3A_134 = arith.cmpi ne, %gather3A, %ne3A_133 : vector<16xi32>
          %jit3A = arith.constant 1 : i32
          %jit3A_135 = arith.constant 0 : i32
          %broadcast_in_dim3A_136 = vector.broadcast %jit3A : i32 to vector<16xi32>
          %broadcast_in_dim3A_137 = vector.broadcast %jit3A_135 : i32 to vector<16xi32>
          %select_n3A = arith.select %ne3A_134, %broadcast_in_dim3A_136, %broadcast_in_dim3A_137 : vector<16xi1>, vector<16xi32>
          %add3A_138 = arith.addi %scan3A_130, %select_n3A : vector<16xi32>
          scf.yield %add3A_138 : vector<16xi32>
        }
        %scan3A_113 = arith.constant 50 : i32
        %convert_element_type3A_114 = arith.sitofp %scan3A_112 : vector<16xi32> to vector<16xf32>
        %max3A = arith.constant 1.000000e+00 : f32
        %max3A_115 = vector.broadcast %max3A : f32 to vector<16xf32>
        %max3A_116 = arith.maximumf %convert_element_type3A_114, %max3A_115 : vector<16xf32>
        %div3A = arith.constant 1.000000e+00 : f32
        %div3A_117 = vector.broadcast %div3A : f32 to vector<16xf32>
        %div3A_118 = arith.divf %div3A_117, %max3A_116 : vector<16xf32>
        %mul3A_119 = arith.constant 16 : i32
        %mul3A_120 = arith.muli %scan3A_98, %mul3A_119 : i32
        %swap3A = arith.index_cast %mul3A_120 : i32 to index
        %swap3A_121 = tpu.vector_load %arg10[%swap3A] {strides = array<i32>} : memref<64xf32, #tpu.memory_space<vmem>>, vector<16xf32>,
        tpu.vector_store %arg10[%swap3A], %div3A_118 {strides = array<i32>} : memref<64xf32, #tpu.memory_space<vmem>>, vector<16xf32>,
        %sub3A = arith.constant 5.000000e+01 : f32
        %sub3A_122 = vector.broadcast %sub3A : f32 to vector<16xf32>
        %sub3A_123 = arith.subf %sub3A_122, %convert_element_type3A_114 : vector<16xf32>
        %mul3A_124 = arith.mulf %sub3A_123, %div3A_118 : vector<16xf32>
        %mul3A_125 = arith.constant 16 : i32
        %mul3A_126 = arith.muli %scan3A_98, %mul3A_125 : i32
        %swap3A_127 = arith.index_cast %mul3A_126 : i32 to index
        %swap3A_128 = tpu.vector_load %arg11[%swap3A_127] {strides = array<i32>} : memref<64xf32, #tpu.memory_space<vmem>>, vector<16xf32>,
        tpu.vector_store %arg11[%swap3A_127], %mul3A_124 {strides = array<i32>} : memref<64xf32, #tpu.memory_space<vmem>>, vector<16xf32>,
      }
      %scan3A_36 = arith.constant 4 : i32
      %get3A = arith.constant 0 : i32
      %get3A_37 = arith.index_cast %get3A : i32 to index
      %get3A_38 = arith.constant 0 : index
      %get3A_39 = tpu.vector_load %arg12[%get3A_37, %get3A_38] {strides = array<i32>} : memref<1x32xbf16, #tpu.memory_space<vmem>>, vector<32xbf16>,
      %unpack3A = tpu.unpack_subelements %get3A_39, 0 {pack_format = #tpu.pack_format<interleaved>} : vector<32xbf16> -> vector<16xf32>
      %unpack3A_40 = tpu.unpack_subelements %get3A_39, 1 {pack_format = #tpu.pack_format<interleaved>} : vector<32xbf16> -> vector<16xf32>
      %iota3A = tpu.iota {dimensions = array<i32: 0>} : vector<16xi32>
      %shift_right_arithmetic3A = arith.constant 1 : i32
      %shift_right_arithmetic3A_41 = vector.broadcast %shift_right_arithmetic3A : i32 to vector<16xi32>
      %shift_right_arithmetic3A_42 = arith.shrsi %iota3A, %shift_right_arithmetic3A_41 : vector<16xi32>
      %and3A = arith.constant 1 : i32
      %and3A_43 = vector.broadcast %and3A : i32 to vector<16xi32>
      %and3A_44 = arith.andi %iota3A, %and3A_43 : vector<16xi32>
      %eq3A = arith.constant 0 : i32
      %eq3A_45 = vector.broadcast %eq3A : i32 to vector<16xi32>
      %eq3A_46 = arith.cmpi eq, %and3A_44, %eq3A_45 : vector<16xi32>
      %dma_wait3A = arith.constant 0 : i32
      %dma_wait3A_47 = arith.constant 0 : i32
      %dma_wait3A_48 = tpu.memref_slice %arg13[%dma_wait3A, %dma_wait3A_47] : memref<10000x32xbf16, #tpu.memory_space<vmem_shared>> -> memref<10000x32xbf16, #tpu.memory_space<vmem_shared>>
      tpu.wait_indirect_dma semaphore(%arg14 : memref<!tpu.dma_semaphore, #tpu.memory_space<semaphore_mem>>) src(%dma_wait3A_48 : memref<10000x32xbf16, #tpu.memory_space<vmem_shared>>) dst(%arg6 : memref<3200x32xbf16, #tpu.memory_space<vmem>>)
      %scan3A_49 = arith.constant 0 : i32
      %scan3A_50 = arith.constant 0 : i32
      %scan3A_51 = arith.constant 64 : i32
      %scan3A_52 = arith.addi %scan3A_50, %scan3A_51 : i32
      %scan3A_53 = arith.constant 1 : i32
      scf.for %scan3A_98 = %scan3A_50 to %scan3A_52 step %scan3A_53  : i32 {
        %mul3A_99 = arith.constant 50 : i32
        %mul3A_100 = arith.muli %scan3A_98, %mul3A_99 : i32
        %broadcast_in_dim3A = vector.broadcast %scan3A_98 : i32 to vector<16xi32>
        %gather3A = tpu.vector_load_idx %arg10[%broadcast_in_dim3A] : memref<64xf32, #tpu.memory_space<vmem>>[vector<16xi32>], vector<16xf32>,
        %broadcast_in_dim3A_101 = vector.broadcast %scan3A_98 : i32 to vector<16xi32>
        %gather3A_102 = tpu.vector_load_idx %arg11[%broadcast_in_dim3A_101] : memref<64xf32, #tpu.memory_space<vmem>>[vector<16xi32>], vector<16xf32>,
        %add3A_103 = arith.constant 0 : i32
        %add3A_104 = arith.addi %mul3A_100, %add3A_103 : i32
        %get3A_105 = arith.index_cast %add3A_104 : i32 to index
        %get3A_106 = arith.constant 0 : index
        %get3A_107 = tpu.vector_load %arg6[%get3A_105, %get3A_106] {strides = array<i32>} : memref<3200x32xbf16, #tpu.memory_space<vmem>>, vector<32xbf16>,
        %add3A_108 = arith.constant 1 : i32
        %add3A_109 = arith.addi %add3A_104, %add3A_108 : i32
        %get3A_110 = arith.index_cast %add3A_109 : i32 to index
        %get3A_111 = arith.constant 0 : index
        %get3A_112 = tpu.vector_load %arg6[%get3A_110, %get3A_111] {strides = array<i32>} : memref<3200x32xbf16, #tpu.memory_space<vmem>>, vector<32xbf16>,
        %add3A_113 = arith.addf %get3A_107, %get3A_112 : vector<32xbf16>
        %add3A_114 = arith.constant 2 : i32
        %add3A_115 = arith.addi %add3A_104, %add3A_114 : i32
        %get3A_116 = arith.index_cast %add3A_115 : i32 to index
        %get3A_117 = arith.constant 0 : index
        %get3A_118 = tpu.vector_load %arg6[%get3A_116, %get3A_117] {strides = array<i32>} : memref<3200x32xbf16, #tpu.memory_space<vmem>>, vector<32xbf16>,
        %add3A_119 = arith.constant 3 : i32
        %add3A_120 = arith.addi %add3A_104, %add3A_119 : i32
        %get3A_121 = arith.index_cast %add3A_120 : i32 to index
        %get3A_122 = arith.constant 0 : index
        %get3A_123 = tpu.vector_load %arg6[%get3A_121, %get3A_122] {strides = array<i32>} : memref<3200x32xbf16, #tpu.memory_space<vmem>>, vector<32xbf16>,
        %add3A_124 = arith.addf %get3A_118, %get3A_123 : vector<32xbf16>
        %add3A_125 = arith.addf %add3A_113, %add3A_124 : vector<32xbf16>
        %add3A_126 = arith.constant 4 : i32
        %add3A_127 = arith.addi %mul3A_100, %add3A_126 : i32
        %get3A_128 = arith.index_cast %add3A_127 : i32 to index
        %get3A_129 = arith.constant 0 : index
        %get3A_130 = tpu.vector_load %arg6[%get3A_128, %get3A_129] {strides = array<i32>} : memref<3200x32xbf16, #tpu.memory_space<vmem>>, vector<32xbf16>,
        %add3A_131 = arith.constant 1 : i32
        %add3A_132 = arith.addi %add3A_127, %add3A_131 : i32
        %get3A_133 = arith.index_cast %add3A_132 : i32 to index
        %get3A_134 = arith.constant 0 : index
        %get3A_135 = tpu.vector_load %arg6[%get3A_133, %get3A_134] {strides = array<i32>} : memref<3200x32xbf16, #tpu.memory_space<vmem>>, vector<32xbf16>,
        %add3A_136 = arith.addf %get3A_130, %get3A_135 : vector<32xbf16>
        %add3A_137 = arith.constant 2 : i32
        %add3A_138 = arith.addi %add3A_127, %add3A_137 : i32
        %get3A_139 = arith.index_cast %add3A_138 : i32 to index
        %get3A_140 = arith.constant 0 : index
        %get3A_141 = tpu.vector_load %arg6[%get3A_139, %get3A_140] {strides = array<i32>} : memref<3200x32xbf16, #tpu.memory_space<vmem>>, vector<32xbf16>,
        %add3A_142 = arith.constant 3 : i32
        %add3A_143 = arith.addi %add3A_127, %add3A_142 : i32
        %get3A_144 = arith.index_cast %add3A_143 : i32 to index
        %get3A_145 = arith.constant 0 : index
        %get3A_146 = tpu.vector_load %arg6[%get3A_144, %get3A_145] {strides = array<i32>} : memref<3200x32xbf16, #tpu.memory_space<vmem>>, vector<32xbf16>,
        %add3A_147 = arith.addf %get3A_141, %get3A_146 : vector<32xbf16>
        %add3A_148 = arith.addf %add3A_136, %add3A_147 : vector<32xbf16>
        %add3A_149 = arith.constant 8 : i32
        %add3A_150 = arith.addi %mul3A_100, %add3A_149 : i32
        %get3A_151 = arith.index_cast %add3A_150 : i32 to index
        %get3A_152 = arith.constant 0 : index
        %get3A_153 = tpu.vector_load %arg6[%get3A_151, %get3A_152] {strides = array<i32>} : memref<3200x32xbf16, #tpu.memory_space<vmem>>, vector<32xbf16>,
        %add3A_154 = arith.constant 1 : i32
        %add3A_155 = arith.addi %add3A_150, %add3A_154 : i32
        %get3A_156 = arith.index_cast %add3A_155 : i32 to index
        %get3A_157 = arith.constant 0 : index
        %get3A_158 = tpu.vector_load %arg6[%get3A_156, %get3A_157] {strides = array<i32>} : memref<3200x32xbf16, #tpu.memory_space<vmem>>, vector<32xbf16>,
        %add3A_159 = arith.addf %get3A_153, %get3A_158 : vector<32xbf16>
        %add3A_160 = arith.constant 2 : i32
        %add3A_161 = arith.addi %add3A_150, %add3A_160 : i32
        %get3A_162 = arith.index_cast %add3A_161 : i32 to index
        %get3A_163 = arith.constant 0 : index
        %get3A_164 = tpu.vector_load %arg6[%get3A_162, %get3A_163] {strides = array<i32>} : memref<3200x32xbf16, #tpu.memory_space<vmem>>, vector<32xbf16>,
        %add3A_165 = arith.constant 3 : i32
        %add3A_166 = arith.addi %add3A_150, %add3A_165 : i32
        %get3A_167 = arith.index_cast %add3A_166 : i32 to index
        %get3A_168 = arith.constant 0 : index
        %get3A_169 = tpu.vector_load %arg6[%get3A_167, %get3A_168] {strides = array<i32>} : memref<3200x32xbf16, #tpu.memory_space<vmem>>, vector<32xbf16>,
        %add3A_170 = arith.addf %get3A_164, %get3A_169 : vector<32xbf16>
        %add3A_171 = arith.addf %add3A_159, %add3A_170 : vector<32xbf16>
        %add3A_172 = arith.constant 12 : i32
        %add3A_173 = arith.addi %mul3A_100, %add3A_172 : i32
        %get3A_174 = arith.index_cast %add3A_173 : i32 to index
        %get3A_175 = arith.constant 0 : index
        %get3A_176 = tpu.vector_load %arg6[%get3A_174, %get3A_175] {strides = array<i32>} : memref<3200x32xbf16, #tpu.memory_space<vmem>>, vector<32xbf16>,
        %add3A_177 = arith.constant 1 : i32
        %add3A_178 = arith.addi %add3A_173, %add3A_177 : i32
        %get3A_179 = arith.index_cast %add3A_178 : i32 to index
        %get3A_180 = arith.constant 0 : index
        %get3A_181 = tpu.vector_load %arg6[%get3A_179, %get3A_180] {strides = array<i32>} : memref<3200x32xbf16, #tpu.memory_space<vmem>>, vector<32xbf16>,
        %add3A_182 = arith.addf %get3A_176, %get3A_181 : vector<32xbf16>
        %add3A_183 = arith.constant 2 : i32
        %add3A_184 = arith.addi %add3A_173, %add3A_183 : i32
        %get3A_185 = arith.index_cast %add3A_184 : i32 to index
        %get3A_186 = arith.constant 0 : index
        %get3A_187 = tpu.vector_load %arg6[%get3A_185, %get3A_186] {strides = array<i32>} : memref<3200x32xbf16, #tpu.memory_space<vmem>>, vector<32xbf16>,
        %add3A_188 = arith.constant 3 : i32
        %add3A_189 = arith.addi %add3A_173, %add3A_188 : i32
        %get3A_190 = arith.index_cast %add3A_189 : i32 to index
        %get3A_191 = arith.constant 0 : index
        %get3A_192 = tpu.vector_load %arg6[%get3A_190, %get3A_191] {strides = array<i32>} : memref<3200x32xbf16, #tpu.memory_space<vmem>>, vector<32xbf16>,
        %add3A_193 = arith.addf %get3A_187, %get3A_192 : vector<32xbf16>
        %add3A_194 = arith.addf %add3A_182, %add3A_193 : vector<32xbf16>
        %add3A_195 = arith.constant 16 : i32
        %add3A_196 = arith.addi %mul3A_100, %add3A_195 : i32
        %get3A_197 = arith.index_cast %add3A_196 : i32 to index
        %get3A_198 = arith.constant 0 : index
        %get3A_199 = tpu.vector_load %arg6[%get3A_197, %get3A_198] {strides = array<i32>} : memref<3200x32xbf16, #tpu.memory_space<vmem>>, vector<32xbf16>,
        %add3A_200 = arith.constant 1 : i32
        %add3A_201 = arith.addi %add3A_196, %add3A_200 : i32
        %get3A_202 = arith.index_cast %add3A_201 : i32 to index
        %get3A_203 = arith.constant 0 : index
        %get3A_204 = tpu.vector_load %arg6[%get3A_202, %get3A_203] {strides = array<i32>} : memref<3200x32xbf16, #tpu.memory_space<vmem>>, vector<32xbf16>,
        %add3A_205 = arith.addf %get3A_199, %get3A_204 : vector<32xbf16>
        %add3A_206 = arith.constant 2 : i32
        %add3A_207 = arith.addi %add3A_196, %add3A_206 : i32
        %get3A_208 = arith.index_cast %add3A_207 : i32 to index
        %get3A_209 = arith.constant 0 : index
        %get3A_210 = tpu.vector_load %arg6[%get3A_208, %get3A_209] {strides = array<i32>} : memref<3200x32xbf16, #tpu.memory_space<vmem>>, vector<32xbf16>,
        %add3A_211 = arith.constant 3 : i32
        %add3A_212 = arith.addi %add3A_196, %add3A_211 : i32
        %get3A_213 = arith.index_cast %add3A_212 : i32 to index
        %get3A_214 = arith.constant 0 : index
        %get3A_215 = tpu.vector_load %arg6[%get3A_213, %get3A_214] {strides = array<i32>} : memref<3200x32xbf16, #tpu.memory_space<vmem>>, vector<32xbf16>,
        %add3A_216 = arith.addf %get3A_210, %get3A_215 : vector<32xbf16>
        %add3A_217 = arith.addf %add3A_205, %add3A_216 : vector<32xbf16>
        %add3A_218 = arith.constant 20 : i32
        %add3A_219 = arith.addi %mul3A_100, %add3A_218 : i32
        %get3A_220 = arith.index_cast %add3A_219 : i32 to index
        %get3A_221 = arith.constant 0 : index
        %get3A_222 = tpu.vector_load %arg6[%get3A_220, %get3A_221] {strides = array<i32>} : memref<3200x32xbf16, #tpu.memory_space<vmem>>, vector<32xbf16>,
        %add3A_223 = arith.constant 1 : i32
        %add3A_224 = arith.addi %add3A_219, %add3A_223 : i32
        %get3A_225 = arith.index_cast %add3A_224 : i32 to index
        %get3A_226 = arith.constant 0 : index
        %get3A_227 = tpu.vector_load %arg6[%get3A_225, %get3A_226] {strides = array<i32>} : memref<3200x32xbf16, #tpu.memory_space<vmem>>, vector<32xbf16>,
        %add3A_228 = arith.addf %get3A_222, %get3A_227 : vector<32xbf16>
        %add3A_229 = arith.constant 2 : i32
        %add3A_230 = arith.addi %add3A_219, %add3A_229 : i32
        %get3A_231 = arith.index_cast %add3A_230 : i32 to index
        %get3A_232 = arith.constant 0 : index
        %get3A_233 = tpu.vector_load %arg6[%get3A_231, %get3A_232] {strides = array<i32>} : memref<3200x32xbf16, #tpu.memory_space<vmem>>, vector<32xbf16>,
        %add3A_234 = arith.constant 3 : i32
        %add3A_235 = arith.addi %add3A_219, %add3A_234 : i32
        %get3A_236 = arith.index_cast %add3A_235 : i32 to index
        %get3A_237 = arith.constant 0 : index
        %get3A_238 = tpu.vector_load %arg6[%get3A_236, %get3A_237] {strides = array<i32>} : memref<3200x32xbf16, #tpu.memory_space<vmem>>, vector<32xbf16>,
        %add3A_239 = arith.addf %get3A_233, %get3A_238 : vector<32xbf16>
        %add3A_240 = arith.addf %add3A_228, %add3A_239 : vector<32xbf16>
        %add3A_241 = arith.constant 24 : i32
        %add3A_242 = arith.addi %mul3A_100, %add3A_241 : i32
        %get3A_243 = arith.index_cast %add3A_242 : i32 to index
        %get3A_244 = arith.constant 0 : index
        %get3A_245 = tpu.vector_load %arg6[%get3A_243, %get3A_244] {strides = array<i32>} : memref<3200x32xbf16, #tpu.memory_space<vmem>>, vector<32xbf16>,
        %add3A_246 = arith.constant 1 : i32
        %add3A_247 = arith.addi %add3A_242, %add3A_246 : i32
        %get3A_248 = arith.index_cast %add3A_247 : i32 to index
        %get3A_249 = arith.constant 0 : index
        %get3A_250 = tpu.vector_load %arg6[%get3A_248, %get3A_249] {strides = array<i32>} : memref<3200x32xbf16, #tpu.memory_space<vmem>>, vector<32xbf16>,
        %add3A_251 = arith.addf %get3A_245, %get3A_250 : vector<32xbf16>
        %add3A_252 = arith.constant 2 : i32
        %add3A_253 = arith.addi %add3A_242, %add3A_252 : i32
        %get3A_254 = arith.index_cast %add3A_253 : i32 to index
        %get3A_255 = arith.constant 0 : index
        %get3A_256 = tpu.vector_load %arg6[%get3A_254, %get3A_255] {strides = array<i32>} : memref<3200x32xbf16, #tpu.memory_space<vmem>>, vector<32xbf16>,
        %add3A_257 = arith.constant 3 : i32
        %add3A_258 = arith.addi %add3A_242, %add3A_257 : i32
        %get3A_259 = arith.index_cast %add3A_258 : i32 to index
        %get3A_260 = arith.constant 0 : index
        %get3A_261 = tpu.vector_load %arg6[%get3A_259, %get3A_260] {strides = array<i32>} : memref<3200x32xbf16, #tpu.memory_space<vmem>>, vector<32xbf16>,
        %add3A_262 = arith.addf %get3A_256, %get3A_261 : vector<32xbf16>
        %add3A_263 = arith.addf %add3A_251, %add3A_262 : vector<32xbf16>
        %add3A_264 = arith.constant 28 : i32
        %add3A_265 = arith.addi %mul3A_100, %add3A_264 : i32
        %get3A_266 = arith.index_cast %add3A_265 : i32 to index
        %get3A_267 = arith.constant 0 : index
        %get3A_268 = tpu.vector_load %arg6[%get3A_266, %get3A_267] {strides = array<i32>} : memref<3200x32xbf16, #tpu.memory_space<vmem>>, vector<32xbf16>,
        %add3A_269 = arith.constant 1 : i32
        %add3A_270 = arith.addi %add3A_265, %add3A_269 : i32
        %get3A_271 = arith.index_cast %add3A_270 : i32 to index
        %get3A_272 = arith.constant 0 : index
        %get3A_273 = tpu.vector_load %arg6[%get3A_271, %get3A_272] {strides = array<i32>} : memref<3200x32xbf16, #tpu.memory_space<vmem>>, vector<32xbf16>,
        %add3A_274 = arith.addf %get3A_268, %get3A_273 : vector<32xbf16>
        %add3A_275 = arith.constant 2 : i32
        %add3A_276 = arith.addi %add3A_265, %add3A_275 : i32
        %get3A_277 = arith.index_cast %add3A_276 : i32 to index
        %get3A_278 = arith.constant 0 : index
        %get3A_279 = tpu.vector_load %arg6[%get3A_277, %get3A_278] {strides = array<i32>} : memref<3200x32xbf16, #tpu.memory_space<vmem>>, vector<32xbf16>,
        %add3A_280 = arith.constant 3 : i32
        %add3A_281 = arith.addi %add3A_265, %add3A_280 : i32
        %get3A_282 = arith.index_cast %add3A_281 : i32 to index
        %get3A_283 = arith.constant 0 : index
        %get3A_284 = tpu.vector_load %arg6[%get3A_282, %get3A_283] {strides = array<i32>} : memref<3200x32xbf16, #tpu.memory_space<vmem>>, vector<32xbf16>,
        %add3A_285 = arith.addf %get3A_279, %get3A_284 : vector<32xbf16>
        %add3A_286 = arith.addf %add3A_274, %add3A_285 : vector<32xbf16>
        %add3A_287 = arith.constant 32 : i32
        %add3A_288 = arith.addi %mul3A_100, %add3A_287 : i32
        %get3A_289 = arith.index_cast %add3A_288 : i32 to index
        %get3A_290 = arith.constant 0 : index
        %get3A_291 = tpu.vector_load %arg6[%get3A_289, %get3A_290] {strides = array<i32>} : memref<3200x32xbf16, #tpu.memory_space<vmem>>, vector<32xbf16>,
        %add3A_292 = arith.constant 1 : i32
        %add3A_293 = arith.addi %add3A_288, %add3A_292 : i32
        %get3A_294 = arith.index_cast %add3A_293 : i32 to index
        %get3A_295 = arith.constant 0 : index
        %get3A_296 = tpu.vector_load %arg6[%get3A_294, %get3A_295] {strides = array<i32>} : memref<3200x32xbf16, #tpu.memory_space<vmem>>, vector<32xbf16>,
        %add3A_297 = arith.addf %get3A_291, %get3A_296 : vector<32xbf16>
        %add3A_298 = arith.constant 2 : i32
        %add3A_299 = arith.addi %add3A_288, %add3A_298 : i32
        %get3A_300 = arith.index_cast %add3A_299 : i32 to index
        %get3A_301 = arith.constant 0 : index
        %get3A_302 = tpu.vector_load %arg6[%get3A_300, %get3A_301] {strides = array<i32>} : memref<3200x32xbf16, #tpu.memory_space<vmem>>, vector<32xbf16>,
        %add3A_303 = arith.constant 3 : i32
        %add3A_304 = arith.addi %add3A_288, %add3A_303 : i32
        %get3A_305 = arith.index_cast %add3A_304 : i32 to index
        %get3A_306 = arith.constant 0 : index
        %get3A_307 = tpu.vector_load %arg6[%get3A_305, %get3A_306] {strides = array<i32>} : memref<3200x32xbf16, #tpu.memory_space<vmem>>, vector<32xbf16>,
        %add3A_308 = arith.addf %get3A_302, %get3A_307 : vector<32xbf16>
        %add3A_309 = arith.addf %add3A_297, %add3A_308 : vector<32xbf16>
        %add3A_310 = arith.constant 36 : i32
        %add3A_311 = arith.addi %mul3A_100, %add3A_310 : i32
        %get3A_312 = arith.index_cast %add3A_311 : i32 to index
        %get3A_313 = arith.constant 0 : index
        %get3A_314 = tpu.vector_load %arg6[%get3A_312, %get3A_313] {strides = array<i32>} : memref<3200x32xbf16, #tpu.memory_space<vmem>>, vector<32xbf16>,
        %add3A_315 = arith.constant 1 : i32
        %add3A_316 = arith.addi %add3A_311, %add3A_315 : i32
        %get3A_317 = arith.index_cast %add3A_316 : i32 to index
        %get3A_318 = arith.constant 0 : index
        %get3A_319 = tpu.vector_load %arg6[%get3A_317, %get3A_318] {strides = array<i32>} : memref<3200x32xbf16, #tpu.memory_space<vmem>>, vector<32xbf16>,
        %add3A_320 = arith.addf %get3A_314, %get3A_319 : vector<32xbf16>
        %add3A_321 = arith.constant 2 : i32
        %add3A_322 = arith.addi %add3A_311, %add3A_321 : i32
        %get3A_323 = arith.index_cast %add3A_322 : i32 to index
        %get3A_324 = arith.constant 0 : index
        %get3A_325 = tpu.vector_load %arg6[%get3A_323, %get3A_324] {strides = array<i32>} : memref<3200x32xbf16, #tpu.memory_space<vmem>>, vector<32xbf16>,
        %add3A_326 = arith.constant 3 : i32
        %add3A_327 = arith.addi %add3A_311, %add3A_326 : i32
        %get3A_328 = arith.index_cast %add3A_327 : i32 to index
        %get3A_329 = arith.constant 0 : index
        %get3A_330 = tpu.vector_load %arg6[%get3A_328, %get3A_329] {strides = array<i32>} : memref<3200x32xbf16, #tpu.memory_space<vmem>>, vector<32xbf16>,
        %add3A_331 = arith.addf %get3A_325, %get3A_330 : vector<32xbf16>
        %add3A_332 = arith.addf %add3A_320, %add3A_331 : vector<32xbf16>
        %add3A_333 = arith.constant 40 : i32
        %add3A_334 = arith.addi %mul3A_100, %add3A_333 : i32
        %get3A_335 = arith.index_cast %add3A_334 : i32 to index
        %get3A_336 = arith.constant 0 : index
        %get3A_337 = tpu.vector_load %arg6[%get3A_335, %get3A_336] {strides = array<i32>} : memref<3200x32xbf16, #tpu.memory_space<vmem>>, vector<32xbf16>,
        %add3A_338 = arith.constant 1 : i32
        %add3A_339 = arith.addi %add3A_334, %add3A_338 : i32
        %get3A_340 = arith.index_cast %add3A_339 : i32 to index
        %get3A_341 = arith.constant 0 : index
        %get3A_342 = tpu.vector_load %arg6[%get3A_340, %get3A_341] {strides = array<i32>} : memref<3200x32xbf16, #tpu.memory_space<vmem>>, vector<32xbf16>,
        %add3A_343 = arith.addf %get3A_337, %get3A_342 : vector<32xbf16>
        %add3A_344 = arith.constant 2 : i32
        %add3A_345 = arith.addi %add3A_334, %add3A_344 : i32
        %get3A_346 = arith.index_cast %add3A_345 : i32 to index
        %get3A_347 = arith.constant 0 : index
        %get3A_348 = tpu.vector_load %arg6[%get3A_346, %get3A_347] {strides = array<i32>} : memref<3200x32xbf16, #tpu.memory_space<vmem>>, vector<32xbf16>,
        %add3A_349 = arith.constant 3 : i32
        %add3A_350 = arith.addi %add3A_334, %add3A_349 : i32
        %get3A_351 = arith.index_cast %add3A_350 : i32 to index
        %get3A_352 = arith.constant 0 : index
        %get3A_353 = tpu.vector_load %arg6[%get3A_351, %get3A_352] {strides = array<i32>} : memref<3200x32xbf16, #tpu.memory_space<vmem>>, vector<32xbf16>,
        %add3A_354 = arith.addf %get3A_348, %get3A_353 : vector<32xbf16>
        %add3A_355 = arith.addf %add3A_343, %add3A_354 : vector<32xbf16>
        %add3A_356 = arith.constant 44 : i32
        %add3A_357 = arith.addi %mul3A_100, %add3A_356 : i32
        %get3A_358 = arith.index_cast %add3A_357 : i32 to index
        %get3A_359 = arith.constant 0 : index
        %get3A_360 = tpu.vector_load %arg6[%get3A_358, %get3A_359] {strides = array<i32>} : memref<3200x32xbf16, #tpu.memory_space<vmem>>, vector<32xbf16>,
        %add3A_361 = arith.constant 1 : i32
        %add3A_362 = arith.addi %add3A_357, %add3A_361 : i32
        %get3A_363 = arith.index_cast %add3A_362 : i32 to index
        %get3A_364 = arith.constant 0 : index
        %get3A_365 = tpu.vector_load %arg6[%get3A_363, %get3A_364] {strides = array<i32>} : memref<3200x32xbf16, #tpu.memory_space<vmem>>, vector<32xbf16>,
        %add3A_366 = arith.addf %get3A_360, %get3A_365 : vector<32xbf16>
        %add3A_367 = arith.constant 2 : i32
        %add3A_368 = arith.addi %add3A_357, %add3A_367 : i32
        %get3A_369 = arith.index_cast %add3A_368 : i32 to index
        %get3A_370 = arith.constant 0 : index
        %get3A_371 = tpu.vector_load %arg6[%get3A_369, %get3A_370] {strides = array<i32>} : memref<3200x32xbf16, #tpu.memory_space<vmem>>, vector<32xbf16>,
        %add3A_372 = arith.constant 3 : i32
        %add3A_373 = arith.addi %add3A_357, %add3A_372 : i32
        %get3A_374 = arith.index_cast %add3A_373 : i32 to index
        %get3A_375 = arith.constant 0 : index
        %get3A_376 = tpu.vector_load %arg6[%get3A_374, %get3A_375] {strides = array<i32>} : memref<3200x32xbf16, #tpu.memory_space<vmem>>, vector<32xbf16>,
        %add3A_377 = arith.addf %get3A_371, %get3A_376 : vector<32xbf16>
        %add3A_378 = arith.addf %add3A_366, %add3A_377 : vector<32xbf16>
        %add3A_379 = arith.constant 48 : i32
        %add3A_380 = arith.addi %mul3A_100, %add3A_379 : i32
        %get3A_381 = arith.index_cast %add3A_380 : i32 to index
        %get3A_382 = arith.constant 0 : index
        %get3A_383 = tpu.vector_load %arg6[%get3A_381, %get3A_382] {strides = array<i32>} : memref<3200x32xbf16, #tpu.memory_space<vmem>>, vector<32xbf16>,
        %add3A_384 = arith.constant 49 : i32
        %add3A_385 = arith.addi %mul3A_100, %add3A_384 : i32
        %get3A_386 = arith.index_cast %add3A_385 : i32 to index
        %get3A_387 = arith.constant 0 : index
        %get3A_388 = tpu.vector_load %arg6[%get3A_386, %get3A_387] {strides = array<i32>} : memref<3200x32xbf16, #tpu.memory_space<vmem>>, vector<32xbf16>,
        %add3A_389 = arith.addf %get3A_383, %get3A_388 : vector<32xbf16>
        %unpack3A_390 = tpu.unpack_subelements %add3A_125, 0 {pack_format = #tpu.pack_format<interleaved>} : vector<32xbf16> -> vector<16xf32>
        %unpack3A_391 = tpu.unpack_subelements %add3A_125, 1 {pack_format = #tpu.pack_format<interleaved>} : vector<32xbf16> -> vector<16xf32>
        %unpack3A_392 = tpu.unpack_subelements %add3A_148, 0 {pack_format = #tpu.pack_format<interleaved>} : vector<32xbf16> -> vector<16xf32>
        %unpack3A_393 = tpu.unpack_subelements %add3A_148, 1 {pack_format = #tpu.pack_format<interleaved>} : vector<32xbf16> -> vector<16xf32>
        %unpack3A_394 = tpu.unpack_subelements %add3A_171, 0 {pack_format = #tpu.pack_format<interleaved>} : vector<32xbf16> -> vector<16xf32>
        %unpack3A_395 = tpu.unpack_subelements %add3A_171, 1 {pack_format = #tpu.pack_format<interleaved>} : vector<32xbf16> -> vector<16xf32>
        %unpack3A_396 = tpu.unpack_subelements %add3A_194, 0 {pack_format = #tpu.pack_format<interleaved>} : vector<32xbf16> -> vector<16xf32>
        %unpack3A_397 = tpu.unpack_subelements %add3A_194, 1 {pack_format = #tpu.pack_format<interleaved>} : vector<32xbf16> -> vector<16xf32>
        %unpack3A_398 = tpu.unpack_subelements %add3A_217, 0 {pack_format = #tpu.pack_format<interleaved>} : vector<32xbf16> -> vector<16xf32>
        %unpack3A_399 = tpu.unpack_subelements %add3A_217, 1 {pack_format = #tpu.pack_format<interleaved>} : vector<32xbf16> -> vector<16xf32>
        %add3A_400 = arith.addf %unpack3A_390, %unpack3A_398 : vector<16xf32>
        %add3A_401 = arith.addf %unpack3A_391, %unpack3A_399 : vector<16xf32>
        %unpack3A_402 = tpu.unpack_subelements %add3A_240, 0 {pack_format = #tpu.pack_format<interleaved>} : vector<32xbf16> -> vector<16xf32>
        %unpack3A_403 = tpu.unpack_subelements %add3A_240, 1 {pack_format = #tpu.pack_format<interleaved>} : vector<32xbf16> -> vector<16xf32>
        %add3A_404 = arith.addf %unpack3A_392, %unpack3A_402 : vector<16xf32>
        %add3A_405 = arith.addf %unpack3A_393, %unpack3A_403 : vector<16xf32>
        %unpack3A_406 = tpu.unpack_subelements %add3A_263, 0 {pack_format = #tpu.pack_format<interleaved>} : vector<32xbf16> -> vector<16xf32>
        %unpack3A_407 = tpu.unpack_subelements %add3A_263, 1 {pack_format = #tpu.pack_format<interleaved>} : vector<32xbf16> -> vector<16xf32>
        %add3A_408 = arith.addf %unpack3A_394, %unpack3A_406 : vector<16xf32>
        %add3A_409 = arith.addf %unpack3A_395, %unpack3A_407 : vector<16xf32>
        %unpack3A_410 = tpu.unpack_subelements %add3A_286, 0 {pack_format = #tpu.pack_format<interleaved>} : vector<32xbf16> -> vector<16xf32>
        %unpack3A_411 = tpu.unpack_subelements %add3A_286, 1 {pack_format = #tpu.pack_format<interleaved>} : vector<32xbf16> -> vector<16xf32>
        %add3A_412 = arith.addf %unpack3A_396, %unpack3A_410 : vector<16xf32>
        %add3A_413 = arith.addf %unpack3A_397, %unpack3A_411 : vector<16xf32>
        %unpack3A_414 = tpu.unpack_subelements %add3A_309, 0 {pack_format = #tpu.pack_format<interleaved>} : vector<32xbf16> -> vector<16xf32>
        %unpack3A_415 = tpu.unpack_subelements %add3A_309, 1 {pack_format = #tpu.pack_format<interleaved>} : vector<32xbf16> -> vector<16xf32>
        %add3A_416 = arith.addf %add3A_400, %unpack3A_414 : vector<16xf32>
        %add3A_417 = arith.addf %add3A_401, %unpack3A_415 : vector<16xf32>
        %unpack3A_418 = tpu.unpack_subelements %add3A_332, 0 {pack_format = #tpu.pack_format<interleaved>} : vector<32xbf16> -> vector<16xf32>
        %unpack3A_419 = tpu.unpack_subelements %add3A_332, 1 {pack_format = #tpu.pack_format<interleaved>} : vector<32xbf16> -> vector<16xf32>
        %add3A_420 = arith.addf %add3A_404, %unpack3A_418 : vector<16xf32>
        %add3A_421 = arith.addf %add3A_405, %unpack3A_419 : vector<16xf32>
        %unpack3A_422 = tpu.unpack_subelements %add3A_355, 0 {pack_format = #tpu.pack_format<interleaved>} : vector<32xbf16> -> vector<16xf32>
        %unpack3A_423 = tpu.unpack_subelements %add3A_355, 1 {pack_format = #tpu.pack_format<interleaved>} : vector<32xbf16> -> vector<16xf32>
        %add3A_424 = arith.addf %add3A_408, %unpack3A_422 : vector<16xf32>
        %add3A_425 = arith.addf %add3A_409, %unpack3A_423 : vector<16xf32>
        %unpack3A_426 = tpu.unpack_subelements %add3A_378, 0 {pack_format = #tpu.pack_format<interleaved>} : vector<32xbf16> -> vector<16xf32>
        %unpack3A_427 = tpu.unpack_subelements %add3A_378, 1 {pack_format = #tpu.pack_format<interleaved>} : vector<32xbf16> -> vector<16xf32>
        %add3A_428 = arith.addf %add3A_412, %unpack3A_426 : vector<16xf32>
        %add3A_429 = arith.addf %add3A_413, %unpack3A_427 : vector<16xf32>
        %unpack3A_430 = tpu.unpack_subelements %add3A_389, 0 {pack_format = #tpu.pack_format<interleaved>} : vector<32xbf16> -> vector<16xf32>
        %unpack3A_431 = tpu.unpack_subelements %add3A_389, 1 {pack_format = #tpu.pack_format<interleaved>} : vector<32xbf16> -> vector<16xf32>
        %add3A_432 = arith.addf %add3A_416, %unpack3A_430 : vector<16xf32>
        %add3A_433 = arith.addf %add3A_417, %unpack3A_431 : vector<16xf32>
        %add3A_434 = arith.addf %add3A_432, %add3A_420 : vector<16xf32>
        %add3A_435 = arith.addf %add3A_424, %add3A_428 : vector<16xf32>
        %add3A_436 = arith.addf %add3A_434, %add3A_435 : vector<16xf32>
        %add3A_437 = arith.addf %add3A_433, %add3A_421 : vector<16xf32>
        %add3A_438 = arith.addf %add3A_425, %add3A_429 : vector<16xf32>
        %add3A_439 = arith.addf %add3A_437, %add3A_438 : vector<16xf32>
        %mul3A_440 = arith.mulf %add3A_436, %gather3A : vector<16xf32>
        %mul3A_441 = arith.mulf %gather3A_102, %unpack3A : vector<16xf32>
        %sub3A = arith.subf %mul3A_440, %mul3A_441 : vector<16xf32>
        %mul3A_442 = arith.mulf %add3A_439, %gather3A : vector<16xf32>
        %mul3A_443 = arith.mulf %gather3A_102, %unpack3A_40 : vector<16xf32>
        %sub3A_444 = arith.subf %mul3A_442, %mul3A_443 : vector<16xf32>
        %reshape3A = vector.shape_cast %shift_right_arithmetic3A_42 : vector<16xi32> to vector<16x1xi32>
        %gather3A_445 = vector.shape_cast %reshape3A : vector<16x1xi32> to vector<16xi32>
        %gather3A_446 = tpu.dynamic_gather %sub3A[%gather3A_445] in [0] : vector<16xf32>, vector<16xi32> -> vector<16xf32>
        %reshape3A_447 = vector.shape_cast %shift_right_arithmetic3A_42 : vector<16xi32> to vector<16x1xi32>
        %gather3A_448 = vector.shape_cast %reshape3A_447 : vector<16x1xi32> to vector<16xi32>
        %gather3A_449 = tpu.dynamic_gather %sub3A_444[%gather3A_448] in [0] : vector<16xf32>, vector<16xi32> -> vector<16xf32>
        %select_n3A = arith.select %eq3A_46, %gather3A_446, %gather3A_449 : vector<16xi1>, vector<16xf32>
        %add3A_450 = arith.constant 8 : i32
        %add3A_451 = vector.broadcast %add3A_450 : i32 to vector<16xi32>
        %add3A_452 = arith.addi %shift_right_arithmetic3A_42, %add3A_451 : vector<16xi32>
        %reshape3A_453 = vector.shape_cast %add3A_452 : vector<16xi32> to vector<16x1xi32>
        %gather3A_454 = vector.shape_cast %reshape3A_453 : vector<16x1xi32> to vector<16xi32>
        %gather3A_455 = tpu.dynamic_gather %sub3A[%gather3A_454] in [0] : vector<16xf32>, vector<16xi32> -> vector<16xf32>
        %add3A_456 = arith.constant 8 : i32
        %add3A_457 = vector.broadcast %add3A_456 : i32 to vector<16xi32>
        %add3A_458 = arith.addi %shift_right_arithmetic3A_42, %add3A_457 : vector<16xi32>
        %reshape3A_459 = vector.shape_cast %add3A_458 : vector<16xi32> to vector<16x1xi32>
        %gather3A_460 = vector.shape_cast %reshape3A_459 : vector<16x1xi32> to vector<16xi32>
        %gather3A_461 = tpu.dynamic_gather %sub3A_444[%gather3A_460] in [0] : vector<16xf32>, vector<16xi32> -> vector<16xf32>
        %select_n3A_462 = arith.select %eq3A_46, %gather3A_455, %gather3A_461 : vector<16xi1>, vector<16xf32>
        %swap3A = arith.index_cast %scan3A_98 : i32 to index
        %swap3A_463 = arith.constant 0 : index
        %swap3A_464 = tpu.vector_load %arg9[%swap3A, %swap3A_463] {strides = array<i32>} : memref<64x32xf32, #tpu.memory_space<vmem>>, vector<16xf32>,
        tpu.vector_store %arg9[%swap3A, %swap3A_463], %select_n3A {strides = array<i32>} : memref<64x32xf32, #tpu.memory_space<vmem>>, vector<16xf32>,
        %swap3A_465 = arith.index_cast %scan3A_98 : i32 to index
        %swap3A_466 = arith.constant 16 : index
        %swap3A_467 = tpu.vector_load %arg9[%swap3A_465, %swap3A_466] {strides = array<i32>} : memref<64x32xf32, #tpu.memory_space<vmem>>, vector<16xf32>,
        tpu.vector_store %arg9[%swap3A_465, %swap3A_466], %select_n3A_462 {strides = array<i32>} : memref<64x32xf32, #tpu.memory_space<vmem>>, vector<16xf32>,
      }
      %scan3A_54 = arith.constant 64 : i32
      %mul3A_55 = arith.constant 64 : i32
      %mul3A_56 = arith.muli %mul3A_20, %mul3A_55 : i32
      %add3A_57 = arith.addi %mul3A_2, %mul3A_56 : i32
      "tpu.region"() ({
        %run_scoped3A = tpu.sem_alloc : memref<!tpu.dma_semaphore, #tpu.memory_space<semaphore_mem>>
        %dma_start3A_98 = arith.constant 0 : i32
        %dma_start3A_99 = tpu.memref_slice %arg4[%add3A_57, %dma_start3A_98] : memref<16384x32xf32, #tpu.memory_space<hbm>> -> memref<64x32xf32, #tpu.memory_space<hbm>>
        %dma_start3A_100 = arith.constant 0 : i32
        %dma_start3A_101 = tpu.memref_slice %arg4[%add3A_57, %dma_start3A_100] : memref<16384x32xf32, #tpu.memory_space<hbm>> -> memref<64x32xf32, #tpu.memory_space<hbm>>
        tpu.enqueue_dma source(%arg9 : memref<64x32xf32, #tpu.memory_space<vmem>>) target(%dma_start3A_101 : memref<64x32xf32, #tpu.memory_space<hbm>>) target_semaphore(%run_scoped3A : memref<!tpu.dma_semaphore, #tpu.memory_space<semaphore_mem>>)
        %dma_wait3A_102 = arith.constant 0 : i32
        %dma_wait3A_103 = tpu.memref_slice %arg4[%add3A_57, %dma_wait3A_102] : memref<16384x32xf32, #tpu.memory_space<hbm>> -> memref<64x32xf32, #tpu.memory_space<hbm>>
        %dma_wait3A_104 = arith.constant 0 : i32
        %dma_wait3A_105 = tpu.memref_slice %arg4[%add3A_57, %dma_wait3A_104] : memref<16384x32xf32, #tpu.memory_space<hbm>> -> memref<64x32xf32, #tpu.memory_space<hbm>>
        tpu.wait_dma2 semaphore(%run_scoped3A : memref<!tpu.dma_semaphore, #tpu.memory_space<semaphore_mem>>) src(%arg9 : memref<64x32xf32, #tpu.memory_space<vmem>>) dst(%dma_wait3A_105 : memref<64x32xf32, #tpu.memory_space<hbm>>)
        tpu.yield
      }) : () -> ()
      %add3A_58 = arith.constant 2 : i32
      %add3A_59 = arith.addi %mul3A_20, %add3A_58 : i32
      %lt3A = arith.constant 8 : i32
      %lt3A_60 = arith.cmpi slt, %add3A_59, %lt3A : i32
      %convert_element_type3A = arith.extui %lt3A_60 : i1 to i32
      %cond3A = arith.constant 0 : i32
      %cond3A_61 = arith.cmpi ne, %convert_element_type3A, %cond3A : i32
      scf.if %cond3A_61 {
        %add3A_98 = arith.constant 2 : i32
        %add3A_99 = arith.addi %mul3A_20, %add3A_98 : i32
        %mul3A_100 = arith.constant 64 : i32
        %mul3A_101 = arith.muli %add3A_99, %mul3A_100 : i32
        %add3A_102 = arith.addi %mul3A_2, %mul3A_101 : i32
        %mul3A_103 = arith.constant 50 : i32
        %mul3A_104 = arith.muli %add3A_102, %mul3A_103 : i32
        "tpu.region"() ({
          %run_scoped3A = tpu.sem_alloc : memref<!tpu.dma_semaphore, #tpu.memory_space<semaphore_mem>>
          %dma_start3A_108 = tpu.memref_slice %arg2[%mul3A_104] : memref<819200xi32, #tpu.memory_space<hbm>> -> memref<3200xi32, #tpu.memory_space<hbm>>
          %dma_start3A_109 = tpu.memref_slice %arg2[%mul3A_104] : memref<819200xi32, #tpu.memory_space<hbm>> -> memref<3200xi32, #tpu.memory_space<hbm>>
          tpu.enqueue_dma source(%dma_start3A_109 : memref<3200xi32, #tpu.memory_space<hbm>>) target(%arg5 : memref<3200xi32, #tpu.memory_space<vmem>>) target_semaphore(%run_scoped3A : memref<!tpu.dma_semaphore, #tpu.memory_space<semaphore_mem>>)
          %dma_wait3A_110 = tpu.memref_slice %arg2[%mul3A_104] : memref<819200xi32, #tpu.memory_space<hbm>> -> memref<3200xi32, #tpu.memory_space<hbm>>
          %dma_wait3A_111 = tpu.memref_slice %arg2[%mul3A_104] : memref<819200xi32, #tpu.memory_space<hbm>> -> memref<3200xi32, #tpu.memory_space<hbm>>
          tpu.wait_dma2 semaphore(%run_scoped3A : memref<!tpu.dma_semaphore, #tpu.memory_space<semaphore_mem>>) src(%dma_wait3A_111 : memref<3200xi32, #tpu.memory_space<hbm>>) dst(%arg5 : memref<3200xi32, #tpu.memory_space<vmem>>)
          tpu.yield
        }) : () -> ()
        %dma_start3A_105 = arith.constant 0 : i32
        %dma_start3A_106 = arith.constant 0 : i32
        %dma_start3A_107 = tpu.memref_slice %arg13[%dma_start3A_105, %dma_start3A_106] : memref<10000x32xbf16, #tpu.memory_space<vmem_shared>> -> memref<10000x32xbf16, #tpu.memory_space<vmem_shared>>
        tpu.enqueue_indirect_dma source(%dma_start3A_107 : memref<10000x32xbf16, #tpu.memory_space<vmem_shared>>) target(%arg6 : memref<3200x32xbf16, #tpu.memory_space<vmem>>) offsets(%arg5 : memref<3200xi32, #tpu.memory_space<vmem>>) semaphore(%arg14 : memref<!tpu.dma_semaphore, #tpu.memory_space<semaphore_mem>>)
      } else {
      }
      %add3A_62 = arith.constant 1 : i32
      %add3A_63 = arith.addi %mul3A_20, %add3A_62 : i32
      %scan3A_64 = arith.constant 0 : i32
      %scan3A_65 = arith.constant 0 : i32
      %scan3A_66 = arith.constant 4 : i32
      %scan3A_67 = arith.addi %scan3A_65, %scan3A_66 : i32
      %scan3A_68 = arith.constant 1 : i32
      scf.for %scan3A_98 = %scan3A_65 to %scan3A_67 step %scan3A_68  : i32 {
        %iota3A_99 = tpu.iota {dimensions = array<i32: 0>} : vector<16xi32>
        %mul3A_100 = arith.constant 50 : i32
        %mul3A_101 = vector.broadcast %mul3A_100 : i32 to vector<16xi32>
        %mul3A_102 = arith.muli %iota3A_99, %mul3A_101 : vector<16xi32>
        %mul3A_103 = arith.constant 800 : i32
        %mul3A_104 = arith.muli %scan3A_98, %mul3A_103 : i32
        %add3A_105 = vector.broadcast %mul3A_104 : i32 to vector<16xi32>
        %add3A_106 = arith.addi %mul3A_102, %add3A_105 : vector<16xi32>
        %broadcast_in_dim3A = arith.constant 0 : i32
        %broadcast_in_dim3A_107 = vector.broadcast %broadcast_in_dim3A : i32 to vector<16xi32>
        %scan3A_108 = arith.constant 0 : i32
        %scan3A_109 = arith.constant 50 : i32
        %scan3A_110 = arith.addi %scan3A_108, %scan3A_109 : i32
        %scan3A_111 = arith.constant 1 : i32
        %scan3A_112 = scf.for %scan3A_129 = %scan3A_108 to %scan3A_110 step %scan3A_111 iter_args(%scan3A_130 = %broadcast_in_dim3A_107) -> (vector<16xi32>)  : i32 {
          %add3A_131 = vector.broadcast %scan3A_129 : i32 to vector<16xi32>
          %add3A_132 = arith.addi %add3A_106, %add3A_131 : vector<16xi32>
          %gather3A = tpu.vector_load_idx %arg7[%add3A_132] : memref<3200xi32, #tpu.memory_space<vmem>>[vector<16xi32>], vector<16xi32>,
          %ne3A = arith.constant 0 : i32
          %ne3A_133 = vector.broadcast %ne3A : i32 to vector<16xi32>
          %ne3A_134 = arith.cmpi ne, %gather3A, %ne3A_133 : vector<16xi32>
          %jit3A = arith.constant 1 : i32
          %jit3A_135 = arith.constant 0 : i32
          %broadcast_in_dim3A_136 = vector.broadcast %jit3A : i32 to vector<16xi32>
          %broadcast_in_dim3A_137 = vector.broadcast %jit3A_135 : i32 to vector<16xi32>
          %select_n3A = arith.select %ne3A_134, %broadcast_in_dim3A_136, %broadcast_in_dim3A_137 : vector<16xi1>, vector<16xi32>
          %add3A_138 = arith.addi %scan3A_130, %select_n3A : vector<16xi32>
          scf.yield %add3A_138 : vector<16xi32>
        }
        %scan3A_113 = arith.constant 50 : i32
        %convert_element_type3A_114 = arith.sitofp %scan3A_112 : vector<16xi32> to vector<16xf32>
        %max3A = arith.constant 1.000000e+00 : f32
        %max3A_115 = vector.broadcast %max3A : f32 to vector<16xf32>
        %max3A_116 = arith.maximumf %convert_element_type3A_114, %max3A_115 : vector<16xf32>
        %div3A = arith.constant 1.000000e+00 : f32
        %div3A_117 = vector.broadcast %div3A : f32 to vector<16xf32>
        %div3A_118 = arith.divf %div3A_117, %max3A_116 : vector<16xf32>
        %mul3A_119 = arith.constant 16 : i32
        %mul3A_120 = arith.muli %scan3A_98, %mul3A_119 : i32
        %swap3A = arith.index_cast %mul3A_120 : i32 to index
        %swap3A_121 = tpu.vector_load %arg10[%swap3A] {strides = array<i32>} : memref<64xf32, #tpu.memory_space<vmem>>, vector<16xf32>,
        tpu.vector_store %arg10[%swap3A], %div3A_118 {strides = array<i32>} : memref<64xf32, #tpu.memory_space<vmem>>, vector<16xf32>,
        %sub3A = arith.constant 5.000000e+01 : f32
        %sub3A_122 = vector.broadcast %sub3A : f32 to vector<16xf32>
        %sub3A_123 = arith.subf %sub3A_122, %convert_element_type3A_114 : vector<16xf32>
        %mul3A_124 = arith.mulf %sub3A_123, %div3A_118 : vector<16xf32>
        %mul3A_125 = arith.constant 16 : i32
        %mul3A_126 = arith.muli %scan3A_98, %mul3A_125 : i32
        %swap3A_127 = arith.index_cast %mul3A_126 : i32 to index
        %swap3A_128 = tpu.vector_load %arg11[%swap3A_127] {strides = array<i32>} : memref<64xf32, #tpu.memory_space<vmem>>, vector<16xf32>,
        tpu.vector_store %arg11[%swap3A_127], %mul3A_124 {strides = array<i32>} : memref<64xf32, #tpu.memory_space<vmem>>, vector<16xf32>,
      }
      %scan3A_69 = arith.constant 4 : i32
      %get3A_70 = arith.constant 0 : i32
      %get3A_71 = arith.index_cast %get3A_70 : i32 to index
      %get3A_72 = arith.constant 0 : index
      %get3A_73 = tpu.vector_load %arg12[%get3A_71, %get3A_72] {strides = array<i32>} : memref<1x32xbf16, #tpu.memory_space<vmem>>, vector<32xbf16>,
      %unpack3A_74 = tpu.unpack_subelements %get3A_73, 0 {pack_format = #tpu.pack_format<interleaved>} : vector<32xbf16> -> vector<16xf32>
      %unpack3A_75 = tpu.unpack_subelements %get3A_73, 1 {pack_format = #tpu.pack_format<interleaved>} : vector<32xbf16> -> vector<16xf32>
      %iota3A_76 = tpu.iota {dimensions = array<i32: 0>} : vector<16xi32>
      %shift_right_arithmetic3A_77 = arith.constant 1 : i32
      %shift_right_arithmetic3A_78 = vector.broadcast %shift_right_arithmetic3A_77 : i32 to vector<16xi32>
      %shift_right_arithmetic3A_79 = arith.shrsi %iota3A_76, %shift_right_arithmetic3A_78 : vector<16xi32>
      %and3A_80 = arith.constant 1 : i32
      %and3A_81 = vector.broadcast %and3A_80 : i32 to vector<16xi32>
      %and3A_82 = arith.andi %iota3A_76, %and3A_81 : vector<16xi32>
      %eq3A_83 = arith.constant 0 : i32
      %eq3A_84 = vector.broadcast %eq3A_83 : i32 to vector<16xi32>
      %eq3A_85 = arith.cmpi eq, %and3A_82, %eq3A_84 : vector<16xi32>
      %dma_wait3A_86 = arith.constant 0 : i32
      %dma_wait3A_87 = arith.constant 0 : i32
      %dma_wait3A_88 = tpu.memref_slice %arg13[%dma_wait3A_86, %dma_wait3A_87] : memref<10000x32xbf16, #tpu.memory_space<vmem_shared>> -> memref<10000x32xbf16, #tpu.memory_space<vmem_shared>>
      tpu.wait_indirect_dma semaphore(%arg15 : memref<!tpu.dma_semaphore, #tpu.memory_space<semaphore_mem>>) src(%dma_wait3A_88 : memref<10000x32xbf16, #tpu.memory_space<vmem_shared>>) dst(%arg8 : memref<3200x32xbf16, #tpu.memory_space<vmem>>)
      %scan3A_89 = arith.constant 0 : i32
      %scan3A_90 = arith.constant 0 : i32
      %scan3A_91 = arith.constant 64 : i32
      %scan3A_92 = arith.addi %scan3A_90, %scan3A_91 : i32
      %scan3A_93 = arith.constant 1 : i32
      scf.for %scan3A_98 = %scan3A_90 to %scan3A_92 step %scan3A_93  : i32 {
        %mul3A_99 = arith.constant 50 : i32
        %mul3A_100 = arith.muli %scan3A_98, %mul3A_99 : i32
        %broadcast_in_dim3A = vector.broadcast %scan3A_98 : i32 to vector<16xi32>
        %gather3A = tpu.vector_load_idx %arg10[%broadcast_in_dim3A] : memref<64xf32, #tpu.memory_space<vmem>>[vector<16xi32>], vector<16xf32>,
        %broadcast_in_dim3A_101 = vector.broadcast %scan3A_98 : i32 to vector<16xi32>
        %gather3A_102 = tpu.vector_load_idx %arg11[%broadcast_in_dim3A_101] : memref<64xf32, #tpu.memory_space<vmem>>[vector<16xi32>], vector<16xf32>,
        %add3A_103 = arith.constant 0 : i32
        %add3A_104 = arith.addi %mul3A_100, %add3A_103 : i32
        %get3A_105 = arith.index_cast %add3A_104 : i32 to index
        %get3A_106 = arith.constant 0 : index
        %get3A_107 = tpu.vector_load %arg8[%get3A_105, %get3A_106] {strides = array<i32>} : memref<3200x32xbf16, #tpu.memory_space<vmem>>, vector<32xbf16>,
        %add3A_108 = arith.constant 1 : i32
        %add3A_109 = arith.addi %add3A_104, %add3A_108 : i32
        %get3A_110 = arith.index_cast %add3A_109 : i32 to index
        %get3A_111 = arith.constant 0 : index
        %get3A_112 = tpu.vector_load %arg8[%get3A_110, %get3A_111] {strides = array<i32>} : memref<3200x32xbf16, #tpu.memory_space<vmem>>, vector<32xbf16>,
        %add3A_113 = arith.addf %get3A_107, %get3A_112 : vector<32xbf16>
        %add3A_114 = arith.constant 2 : i32
        %add3A_115 = arith.addi %add3A_104, %add3A_114 : i32
        %get3A_116 = arith.index_cast %add3A_115 : i32 to index
        %get3A_117 = arith.constant 0 : index
        %get3A_118 = tpu.vector_load %arg8[%get3A_116, %get3A_117] {strides = array<i32>} : memref<3200x32xbf16, #tpu.memory_space<vmem>>, vector<32xbf16>,
        %add3A_119 = arith.constant 3 : i32
        %add3A_120 = arith.addi %add3A_104, %add3A_119 : i32
        %get3A_121 = arith.index_cast %add3A_120 : i32 to index
        %get3A_122 = arith.constant 0 : index
        %get3A_123 = tpu.vector_load %arg8[%get3A_121, %get3A_122] {strides = array<i32>} : memref<3200x32xbf16, #tpu.memory_space<vmem>>, vector<32xbf16>,
        %add3A_124 = arith.addf %get3A_118, %get3A_123 : vector<32xbf16>
        %add3A_125 = arith.addf %add3A_113, %add3A_124 : vector<32xbf16>
        %add3A_126 = arith.constant 4 : i32
        %add3A_127 = arith.addi %mul3A_100, %add3A_126 : i32
        %get3A_128 = arith.index_cast %add3A_127 : i32 to index
        %get3A_129 = arith.constant 0 : index
        %get3A_130 = tpu.vector_load %arg8[%get3A_128, %get3A_129] {strides = array<i32>} : memref<3200x32xbf16, #tpu.memory_space<vmem>>, vector<32xbf16>,
        %add3A_131 = arith.constant 1 : i32
        %add3A_132 = arith.addi %add3A_127, %add3A_131 : i32
        %get3A_133 = arith.index_cast %add3A_132 : i32 to index
        %get3A_134 = arith.constant 0 : index
        %get3A_135 = tpu.vector_load %arg8[%get3A_133, %get3A_134] {strides = array<i32>} : memref<3200x32xbf16, #tpu.memory_space<vmem>>, vector<32xbf16>,
        %add3A_136 = arith.addf %get3A_130, %get3A_135 : vector<32xbf16>
        %add3A_137 = arith.constant 2 : i32
        %add3A_138 = arith.addi %add3A_127, %add3A_137 : i32
        %get3A_139 = arith.index_cast %add3A_138 : i32 to index
        %get3A_140 = arith.constant 0 : index
        %get3A_141 = tpu.vector_load %arg8[%get3A_139, %get3A_140] {strides = array<i32>} : memref<3200x32xbf16, #tpu.memory_space<vmem>>, vector<32xbf16>,
        %add3A_142 = arith.constant 3 : i32
        %add3A_143 = arith.addi %add3A_127, %add3A_142 : i32
        %get3A_144 = arith.index_cast %add3A_143 : i32 to index
        %get3A_145 = arith.constant 0 : index
        %get3A_146 = tpu.vector_load %arg8[%get3A_144, %get3A_145] {strides = array<i32>} : memref<3200x32xbf16, #tpu.memory_space<vmem>>, vector<32xbf16>,
        %add3A_147 = arith.addf %get3A_141, %get3A_146 : vector<32xbf16>
        %add3A_148 = arith.addf %add3A_136, %add3A_147 : vector<32xbf16>
        %add3A_149 = arith.constant 8 : i32
        %add3A_150 = arith.addi %mul3A_100, %add3A_149 : i32
        %get3A_151 = arith.index_cast %add3A_150 : i32 to index
        %get3A_152 = arith.constant 0 : index
        %get3A_153 = tpu.vector_load %arg8[%get3A_151, %get3A_152] {strides = array<i32>} : memref<3200x32xbf16, #tpu.memory_space<vmem>>, vector<32xbf16>,
        %add3A_154 = arith.constant 1 : i32
        %add3A_155 = arith.addi %add3A_150, %add3A_154 : i32
        %get3A_156 = arith.index_cast %add3A_155 : i32 to index
        %get3A_157 = arith.constant 0 : index
        %get3A_158 = tpu.vector_load %arg8[%get3A_156, %get3A_157] {strides = array<i32>} : memref<3200x32xbf16, #tpu.memory_space<vmem>>, vector<32xbf16>,
        %add3A_159 = arith.addf %get3A_153, %get3A_158 : vector<32xbf16>
        %add3A_160 = arith.constant 2 : i32
        %add3A_161 = arith.addi %add3A_150, %add3A_160 : i32
        %get3A_162 = arith.index_cast %add3A_161 : i32 to index
        %get3A_163 = arith.constant 0 : index
        %get3A_164 = tpu.vector_load %arg8[%get3A_162, %get3A_163] {strides = array<i32>} : memref<3200x32xbf16, #tpu.memory_space<vmem>>, vector<32xbf16>,
        %add3A_165 = arith.constant 3 : i32
        %add3A_166 = arith.addi %add3A_150, %add3A_165 : i32
        %get3A_167 = arith.index_cast %add3A_166 : i32 to index
        %get3A_168 = arith.constant 0 : index
        %get3A_169 = tpu.vector_load %arg8[%get3A_167, %get3A_168] {strides = array<i32>} : memref<3200x32xbf16, #tpu.memory_space<vmem>>, vector<32xbf16>,
        %add3A_170 = arith.addf %get3A_164, %get3A_169 : vector<32xbf16>
        %add3A_171 = arith.addf %add3A_159, %add3A_170 : vector<32xbf16>
        %add3A_172 = arith.constant 12 : i32
        %add3A_173 = arith.addi %mul3A_100, %add3A_172 : i32
        %get3A_174 = arith.index_cast %add3A_173 : i32 to index
        %get3A_175 = arith.constant 0 : index
        %get3A_176 = tpu.vector_load %arg8[%get3A_174, %get3A_175] {strides = array<i32>} : memref<3200x32xbf16, #tpu.memory_space<vmem>>, vector<32xbf16>,
        %add3A_177 = arith.constant 1 : i32
        %add3A_178 = arith.addi %add3A_173, %add3A_177 : i32
        %get3A_179 = arith.index_cast %add3A_178 : i32 to index
        %get3A_180 = arith.constant 0 : index
        %get3A_181 = tpu.vector_load %arg8[%get3A_179, %get3A_180] {strides = array<i32>} : memref<3200x32xbf16, #tpu.memory_space<vmem>>, vector<32xbf16>,
        %add3A_182 = arith.addf %get3A_176, %get3A_181 : vector<32xbf16>
        %add3A_183 = arith.constant 2 : i32
        %add3A_184 = arith.addi %add3A_173, %add3A_183 : i32
        %get3A_185 = arith.index_cast %add3A_184 : i32 to index
        %get3A_186 = arith.constant 0 : index
        %get3A_187 = tpu.vector_load %arg8[%get3A_185, %get3A_186] {strides = array<i32>} : memref<3200x32xbf16, #tpu.memory_space<vmem>>, vector<32xbf16>,
        %add3A_188 = arith.constant 3 : i32
        %add3A_189 = arith.addi %add3A_173, %add3A_188 : i32
        %get3A_190 = arith.index_cast %add3A_189 : i32 to index
        %get3A_191 = arith.constant 0 : index
        %get3A_192 = tpu.vector_load %arg8[%get3A_190, %get3A_191] {strides = array<i32>} : memref<3200x32xbf16, #tpu.memory_space<vmem>>, vector<32xbf16>,
        %add3A_193 = arith.addf %get3A_187, %get3A_192 : vector<32xbf16>
        %add3A_194 = arith.addf %add3A_182, %add3A_193 : vector<32xbf16>
        %add3A_195 = arith.constant 16 : i32
        %add3A_196 = arith.addi %mul3A_100, %add3A_195 : i32
        %get3A_197 = arith.index_cast %add3A_196 : i32 to index
        %get3A_198 = arith.constant 0 : index
        %get3A_199 = tpu.vector_load %arg8[%get3A_197, %get3A_198] {strides = array<i32>} : memref<3200x32xbf16, #tpu.memory_space<vmem>>, vector<32xbf16>,
        %add3A_200 = arith.constant 1 : i32
        %add3A_201 = arith.addi %add3A_196, %add3A_200 : i32
        %get3A_202 = arith.index_cast %add3A_201 : i32 to index
        %get3A_203 = arith.constant 0 : index
        %get3A_204 = tpu.vector_load %arg8[%get3A_202, %get3A_203] {strides = array<i32>} : memref<3200x32xbf16, #tpu.memory_space<vmem>>, vector<32xbf16>,
        %add3A_205 = arith.addf %get3A_199, %get3A_204 : vector<32xbf16>
        %add3A_206 = arith.constant 2 : i32
        %add3A_207 = arith.addi %add3A_196, %add3A_206 : i32
        %get3A_208 = arith.index_cast %add3A_207 : i32 to index
        %get3A_209 = arith.constant 0 : index
        %get3A_210 = tpu.vector_load %arg8[%get3A_208, %get3A_209] {strides = array<i32>} : memref<3200x32xbf16, #tpu.memory_space<vmem>>, vector<32xbf16>,
        %add3A_211 = arith.constant 3 : i32
        %add3A_212 = arith.addi %add3A_196, %add3A_211 : i32
        %get3A_213 = arith.index_cast %add3A_212 : i32 to index
        %get3A_214 = arith.constant 0 : index
        %get3A_215 = tpu.vector_load %arg8[%get3A_213, %get3A_214] {strides = array<i32>} : memref<3200x32xbf16, #tpu.memory_space<vmem>>, vector<32xbf16>,
        %add3A_216 = arith.addf %get3A_210, %get3A_215 : vector<32xbf16>
        %add3A_217 = arith.addf %add3A_205, %add3A_216 : vector<32xbf16>
        %add3A_218 = arith.constant 20 : i32
        %add3A_219 = arith.addi %mul3A_100, %add3A_218 : i32
        %get3A_220 = arith.index_cast %add3A_219 : i32 to index
        %get3A_221 = arith.constant 0 : index
        %get3A_222 = tpu.vector_load %arg8[%get3A_220, %get3A_221] {strides = array<i32>} : memref<3200x32xbf16, #tpu.memory_space<vmem>>, vector<32xbf16>,
        %add3A_223 = arith.constant 1 : i32
        %add3A_224 = arith.addi %add3A_219, %add3A_223 : i32
        %get3A_225 = arith.index_cast %add3A_224 : i32 to index
        %get3A_226 = arith.constant 0 : index
        %get3A_227 = tpu.vector_load %arg8[%get3A_225, %get3A_226] {strides = array<i32>} : memref<3200x32xbf16, #tpu.memory_space<vmem>>, vector<32xbf16>,
        %add3A_228 = arith.addf %get3A_222, %get3A_227 : vector<32xbf16>
        %add3A_229 = arith.constant 2 : i32
        %add3A_230 = arith.addi %add3A_219, %add3A_229 : i32
        %get3A_231 = arith.index_cast %add3A_230 : i32 to index
        %get3A_232 = arith.constant 0 : index
        %get3A_233 = tpu.vector_load %arg8[%get3A_231, %get3A_232] {strides = array<i32>} : memref<3200x32xbf16, #tpu.memory_space<vmem>>, vector<32xbf16>,
        %add3A_234 = arith.constant 3 : i32
        %add3A_235 = arith.addi %add3A_219, %add3A_234 : i32
        %get3A_236 = arith.index_cast %add3A_235 : i32 to index
        %get3A_237 = arith.constant 0 : index
        %get3A_238 = tpu.vector_load %arg8[%get3A_236, %get3A_237] {strides = array<i32>} : memref<3200x32xbf16, #tpu.memory_space<vmem>>, vector<32xbf16>,
        %add3A_239 = arith.addf %get3A_233, %get3A_238 : vector<32xbf16>
        %add3A_240 = arith.addf %add3A_228, %add3A_239 : vector<32xbf16>
        %add3A_241 = arith.constant 24 : i32
        %add3A_242 = arith.addi %mul3A_100, %add3A_241 : i32
        %get3A_243 = arith.index_cast %add3A_242 : i32 to index
        %get3A_244 = arith.constant 0 : index
        %get3A_245 = tpu.vector_load %arg8[%get3A_243, %get3A_244] {strides = array<i32>} : memref<3200x32xbf16, #tpu.memory_space<vmem>>, vector<32xbf16>,
        %add3A_246 = arith.constant 1 : i32
        %add3A_247 = arith.addi %add3A_242, %add3A_246 : i32
        %get3A_248 = arith.index_cast %add3A_247 : i32 to index
        %get3A_249 = arith.constant 0 : index
        %get3A_250 = tpu.vector_load %arg8[%get3A_248, %get3A_249] {strides = array<i32>} : memref<3200x32xbf16, #tpu.memory_space<vmem>>, vector<32xbf16>,
        %add3A_251 = arith.addf %get3A_245, %get3A_250 : vector<32xbf16>
        %add3A_252 = arith.constant 2 : i32
        %add3A_253 = arith.addi %add3A_242, %add3A_252 : i32
        %get3A_254 = arith.index_cast %add3A_253 : i32 to index
        %get3A_255 = arith.constant 0 : index
        %get3A_256 = tpu.vector_load %arg8[%get3A_254, %get3A_255] {strides = array<i32>} : memref<3200x32xbf16, #tpu.memory_space<vmem>>, vector<32xbf16>,
        %add3A_257 = arith.constant 3 : i32
        %add3A_258 = arith.addi %add3A_242, %add3A_257 : i32
        %get3A_259 = arith.index_cast %add3A_258 : i32 to index
        %get3A_260 = arith.constant 0 : index
        %get3A_261 = tpu.vector_load %arg8[%get3A_259, %get3A_260] {strides = array<i32>} : memref<3200x32xbf16, #tpu.memory_space<vmem>>, vector<32xbf16>,
        %add3A_262 = arith.addf %get3A_256, %get3A_261 : vector<32xbf16>
        %add3A_263 = arith.addf %add3A_251, %add3A_262 : vector<32xbf16>
        %add3A_264 = arith.constant 28 : i32
        %add3A_265 = arith.addi %mul3A_100, %add3A_264 : i32
        %get3A_266 = arith.index_cast %add3A_265 : i32 to index
        %get3A_267 = arith.constant 0 : index
        %get3A_268 = tpu.vector_load %arg8[%get3A_266, %get3A_267] {strides = array<i32>} : memref<3200x32xbf16, #tpu.memory_space<vmem>>, vector<32xbf16>,
        %add3A_269 = arith.constant 1 : i32
        %add3A_270 = arith.addi %add3A_265, %add3A_269 : i32
        %get3A_271 = arith.index_cast %add3A_270 : i32 to index
        %get3A_272 = arith.constant 0 : index
        %get3A_273 = tpu.vector_load %arg8[%get3A_271, %get3A_272] {strides = array<i32>} : memref<3200x32xbf16, #tpu.memory_space<vmem>>, vector<32xbf16>,
        %add3A_274 = arith.addf %get3A_268, %get3A_273 : vector<32xbf16>
        %add3A_275 = arith.constant 2 : i32
        %add3A_276 = arith.addi %add3A_265, %add3A_275 : i32
        %get3A_277 = arith.index_cast %add3A_276 : i32 to index
        %get3A_278 = arith.constant 0 : index
        %get3A_279 = tpu.vector_load %arg8[%get3A_277, %get3A_278] {strides = array<i32>} : memref<3200x32xbf16, #tpu.memory_space<vmem>>, vector<32xbf16>,
        %add3A_280 = arith.constant 3 : i32
        %add3A_281 = arith.addi %add3A_265, %add3A_280 : i32
        %get3A_282 = arith.index_cast %add3A_281 : i32 to index
        %get3A_283 = arith.constant 0 : index
        %get3A_284 = tpu.vector_load %arg8[%get3A_282, %get3A_283] {strides = array<i32>} : memref<3200x32xbf16, #tpu.memory_space<vmem>>, vector<32xbf16>,
        %add3A_285 = arith.addf %get3A_279, %get3A_284 : vector<32xbf16>
        %add3A_286 = arith.addf %add3A_274, %add3A_285 : vector<32xbf16>
        %add3A_287 = arith.constant 32 : i32
        %add3A_288 = arith.addi %mul3A_100, %add3A_287 : i32
        %get3A_289 = arith.index_cast %add3A_288 : i32 to index
        %get3A_290 = arith.constant 0 : index
        %get3A_291 = tpu.vector_load %arg8[%get3A_289, %get3A_290] {strides = array<i32>} : memref<3200x32xbf16, #tpu.memory_space<vmem>>, vector<32xbf16>,
        %add3A_292 = arith.constant 1 : i32
        %add3A_293 = arith.addi %add3A_288, %add3A_292 : i32
        %get3A_294 = arith.index_cast %add3A_293 : i32 to index
        %get3A_295 = arith.constant 0 : index
        %get3A_296 = tpu.vector_load %arg8[%get3A_294, %get3A_295] {strides = array<i32>} : memref<3200x32xbf16, #tpu.memory_space<vmem>>, vector<32xbf16>,
        %add3A_297 = arith.addf %get3A_291, %get3A_296 : vector<32xbf16>
        %add3A_298 = arith.constant 2 : i32
        %add3A_299 = arith.addi %add3A_288, %add3A_298 : i32
        %get3A_300 = arith.index_cast %add3A_299 : i32 to index
        %get3A_301 = arith.constant 0 : index
        %get3A_302 = tpu.vector_load %arg8[%get3A_300, %get3A_301] {strides = array<i32>} : memref<3200x32xbf16, #tpu.memory_space<vmem>>, vector<32xbf16>,
        %add3A_303 = arith.constant 3 : i32
        %add3A_304 = arith.addi %add3A_288, %add3A_303 : i32
        %get3A_305 = arith.index_cast %add3A_304 : i32 to index
        %get3A_306 = arith.constant 0 : index
        %get3A_307 = tpu.vector_load %arg8[%get3A_305, %get3A_306] {strides = array<i32>} : memref<3200x32xbf16, #tpu.memory_space<vmem>>, vector<32xbf16>,
        %add3A_308 = arith.addf %get3A_302, %get3A_307 : vector<32xbf16>
        %add3A_309 = arith.addf %add3A_297, %add3A_308 : vector<32xbf16>
        %add3A_310 = arith.constant 36 : i32
        %add3A_311 = arith.addi %mul3A_100, %add3A_310 : i32
        %get3A_312 = arith.index_cast %add3A_311 : i32 to index
        %get3A_313 = arith.constant 0 : index
        %get3A_314 = tpu.vector_load %arg8[%get3A_312, %get3A_313] {strides = array<i32>} : memref<3200x32xbf16, #tpu.memory_space<vmem>>, vector<32xbf16>,
        %add3A_315 = arith.constant 1 : i32
        %add3A_316 = arith.addi %add3A_311, %add3A_315 : i32
        %get3A_317 = arith.index_cast %add3A_316 : i32 to index
        %get3A_318 = arith.constant 0 : index
        %get3A_319 = tpu.vector_load %arg8[%get3A_317, %get3A_318] {strides = array<i32>} : memref<3200x32xbf16, #tpu.memory_space<vmem>>, vector<32xbf16>,
        %add3A_320 = arith.addf %get3A_314, %get3A_319 : vector<32xbf16>
        %add3A_321 = arith.constant 2 : i32
        %add3A_322 = arith.addi %add3A_311, %add3A_321 : i32
        %get3A_323 = arith.index_cast %add3A_322 : i32 to index
        %get3A_324 = arith.constant 0 : index
        %get3A_325 = tpu.vector_load %arg8[%get3A_323, %get3A_324] {strides = array<i32>} : memref<3200x32xbf16, #tpu.memory_space<vmem>>, vector<32xbf16>,
        %add3A_326 = arith.constant 3 : i32
        %add3A_327 = arith.addi %add3A_311, %add3A_326 : i32
        %get3A_328 = arith.index_cast %add3A_327 : i32 to index
        %get3A_329 = arith.constant 0 : index
        %get3A_330 = tpu.vector_load %arg8[%get3A_328, %get3A_329] {strides = array<i32>} : memref<3200x32xbf16, #tpu.memory_space<vmem>>, vector<32xbf16>,
        %add3A_331 = arith.addf %get3A_325, %get3A_330 : vector<32xbf16>
        %add3A_332 = arith.addf %add3A_320, %add3A_331 : vector<32xbf16>
        %add3A_333 = arith.constant 40 : i32
        %add3A_334 = arith.addi %mul3A_100, %add3A_333 : i32
        %get3A_335 = arith.index_cast %add3A_334 : i32 to index
        %get3A_336 = arith.constant 0 : index
        %get3A_337 = tpu.vector_load %arg8[%get3A_335, %get3A_336] {strides = array<i32>} : memref<3200x32xbf16, #tpu.memory_space<vmem>>, vector<32xbf16>,
        %add3A_338 = arith.constant 1 : i32
        %add3A_339 = arith.addi %add3A_334, %add3A_338 : i32
        %get3A_340 = arith.index_cast %add3A_339 : i32 to index
        %get3A_341 = arith.constant 0 : index
        %get3A_342 = tpu.vector_load %arg8[%get3A_340, %get3A_341] {strides = array<i32>} : memref<3200x32xbf16, #tpu.memory_space<vmem>>, vector<32xbf16>,
        %add3A_343 = arith.addf %get3A_337, %get3A_342 : vector<32xbf16>
        %add3A_344 = arith.constant 2 : i32
        %add3A_345 = arith.addi %add3A_334, %add3A_344 : i32
        %get3A_346 = arith.index_cast %add3A_345 : i32 to index
        %get3A_347 = arith.constant 0 : index
        %get3A_348 = tpu.vector_load %arg8[%get3A_346, %get3A_347] {strides = array<i32>} : memref<3200x32xbf16, #tpu.memory_space<vmem>>, vector<32xbf16>,
        %add3A_349 = arith.constant 3 : i32
        %add3A_350 = arith.addi %add3A_334, %add3A_349 : i32
        %get3A_351 = arith.index_cast %add3A_350 : i32 to index
        %get3A_352 = arith.constant 0 : index
        %get3A_353 = tpu.vector_load %arg8[%get3A_351, %get3A_352] {strides = array<i32>} : memref<3200x32xbf16, #tpu.memory_space<vmem>>, vector<32xbf16>,
        %add3A_354 = arith.addf %get3A_348, %get3A_353 : vector<32xbf16>
        %add3A_355 = arith.addf %add3A_343, %add3A_354 : vector<32xbf16>
        %add3A_356 = arith.constant 44 : i32
        %add3A_357 = arith.addi %mul3A_100, %add3A_356 : i32
        %get3A_358 = arith.index_cast %add3A_357 : i32 to index
        %get3A_359 = arith.constant 0 : index
        %get3A_360 = tpu.vector_load %arg8[%get3A_358, %get3A_359] {strides = array<i32>} : memref<3200x32xbf16, #tpu.memory_space<vmem>>, vector<32xbf16>,
        %add3A_361 = arith.constant 1 : i32
        %add3A_362 = arith.addi %add3A_357, %add3A_361 : i32
        %get3A_363 = arith.index_cast %add3A_362 : i32 to index
        %get3A_364 = arith.constant 0 : index
        %get3A_365 = tpu.vector_load %arg8[%get3A_363, %get3A_364] {strides = array<i32>} : memref<3200x32xbf16, #tpu.memory_space<vmem>>, vector<32xbf16>,
        %add3A_366 = arith.addf %get3A_360, %get3A_365 : vector<32xbf16>
        %add3A_367 = arith.constant 2 : i32
        %add3A_368 = arith.addi %add3A_357, %add3A_367 : i32
        %get3A_369 = arith.index_cast %add3A_368 : i32 to index
        %get3A_370 = arith.constant 0 : index
        %get3A_371 = tpu.vector_load %arg8[%get3A_369, %get3A_370] {strides = array<i32>} : memref<3200x32xbf16, #tpu.memory_space<vmem>>, vector<32xbf16>,
        %add3A_372 = arith.constant 3 : i32
        %add3A_373 = arith.addi %add3A_357, %add3A_372 : i32
        %get3A_374 = arith.index_cast %add3A_373 : i32 to index
        %get3A_375 = arith.constant 0 : index
        %get3A_376 = tpu.vector_load %arg8[%get3A_374, %get3A_375] {strides = array<i32>} : memref<3200x32xbf16, #tpu.memory_space<vmem>>, vector<32xbf16>,
        %add3A_377 = arith.addf %get3A_371, %get3A_376 : vector<32xbf16>
        %add3A_378 = arith.addf %add3A_366, %add3A_377 : vector<32xbf16>
        %add3A_379 = arith.constant 48 : i32
        %add3A_380 = arith.addi %mul3A_100, %add3A_379 : i32
        %get3A_381 = arith.index_cast %add3A_380 : i32 to index
        %get3A_382 = arith.constant 0 : index
        %get3A_383 = tpu.vector_load %arg8[%get3A_381, %get3A_382] {strides = array<i32>} : memref<3200x32xbf16, #tpu.memory_space<vmem>>, vector<32xbf16>,
        %add3A_384 = arith.constant 49 : i32
        %add3A_385 = arith.addi %mul3A_100, %add3A_384 : i32
        %get3A_386 = arith.index_cast %add3A_385 : i32 to index
        %get3A_387 = arith.constant 0 : index
        %get3A_388 = tpu.vector_load %arg8[%get3A_386, %get3A_387] {strides = array<i32>} : memref<3200x32xbf16, #tpu.memory_space<vmem>>, vector<32xbf16>,
        %add3A_389 = arith.addf %get3A_383, %get3A_388 : vector<32xbf16>
        %unpack3A_390 = tpu.unpack_subelements %add3A_125, 0 {pack_format = #tpu.pack_format<interleaved>} : vector<32xbf16> -> vector<16xf32>
        %unpack3A_391 = tpu.unpack_subelements %add3A_125, 1 {pack_format = #tpu.pack_format<interleaved>} : vector<32xbf16> -> vector<16xf32>
        %unpack3A_392 = tpu.unpack_subelements %add3A_148, 0 {pack_format = #tpu.pack_format<interleaved>} : vector<32xbf16> -> vector<16xf32>
        %unpack3A_393 = tpu.unpack_subelements %add3A_148, 1 {pack_format = #tpu.pack_format<interleaved>} : vector<32xbf16> -> vector<16xf32>
        %unpack3A_394 = tpu.unpack_subelements %add3A_171, 0 {pack_format = #tpu.pack_format<interleaved>} : vector<32xbf16> -> vector<16xf32>
        %unpack3A_395 = tpu.unpack_subelements %add3A_171, 1 {pack_format = #tpu.pack_format<interleaved>} : vector<32xbf16> -> vector<16xf32>
        %unpack3A_396 = tpu.unpack_subelements %add3A_194, 0 {pack_format = #tpu.pack_format<interleaved>} : vector<32xbf16> -> vector<16xf32>
        %unpack3A_397 = tpu.unpack_subelements %add3A_194, 1 {pack_format = #tpu.pack_format<interleaved>} : vector<32xbf16> -> vector<16xf32>
        %unpack3A_398 = tpu.unpack_subelements %add3A_217, 0 {pack_format = #tpu.pack_format<interleaved>} : vector<32xbf16> -> vector<16xf32>
        %unpack3A_399 = tpu.unpack_subelements %add3A_217, 1 {pack_format = #tpu.pack_format<interleaved>} : vector<32xbf16> -> vector<16xf32>
        %add3A_400 = arith.addf %unpack3A_390, %unpack3A_398 : vector<16xf32>
        %add3A_401 = arith.addf %unpack3A_391, %unpack3A_399 : vector<16xf32>
        %unpack3A_402 = tpu.unpack_subelements %add3A_240, 0 {pack_format = #tpu.pack_format<interleaved>} : vector<32xbf16> -> vector<16xf32>
        %unpack3A_403 = tpu.unpack_subelements %add3A_240, 1 {pack_format = #tpu.pack_format<interleaved>} : vector<32xbf16> -> vector<16xf32>
        %add3A_404 = arith.addf %unpack3A_392, %unpack3A_402 : vector<16xf32>
        %add3A_405 = arith.addf %unpack3A_393, %unpack3A_403 : vector<16xf32>
        %unpack3A_406 = tpu.unpack_subelements %add3A_263, 0 {pack_format = #tpu.pack_format<interleaved>} : vector<32xbf16> -> vector<16xf32>
        %unpack3A_407 = tpu.unpack_subelements %add3A_263, 1 {pack_format = #tpu.pack_format<interleaved>} : vector<32xbf16> -> vector<16xf32>
        %add3A_408 = arith.addf %unpack3A_394, %unpack3A_406 : vector<16xf32>
        %add3A_409 = arith.addf %unpack3A_395, %unpack3A_407 : vector<16xf32>
        %unpack3A_410 = tpu.unpack_subelements %add3A_286, 0 {pack_format = #tpu.pack_format<interleaved>} : vector<32xbf16> -> vector<16xf32>
        %unpack3A_411 = tpu.unpack_subelements %add3A_286, 1 {pack_format = #tpu.pack_format<interleaved>} : vector<32xbf16> -> vector<16xf32>
        %add3A_412 = arith.addf %unpack3A_396, %unpack3A_410 : vector<16xf32>
        %add3A_413 = arith.addf %unpack3A_397, %unpack3A_411 : vector<16xf32>
        %unpack3A_414 = tpu.unpack_subelements %add3A_309, 0 {pack_format = #tpu.pack_format<interleaved>} : vector<32xbf16> -> vector<16xf32>
        %unpack3A_415 = tpu.unpack_subelements %add3A_309, 1 {pack_format = #tpu.pack_format<interleaved>} : vector<32xbf16> -> vector<16xf32>
        %add3A_416 = arith.addf %add3A_400, %unpack3A_414 : vector<16xf32>
        %add3A_417 = arith.addf %add3A_401, %unpack3A_415 : vector<16xf32>
        %unpack3A_418 = tpu.unpack_subelements %add3A_332, 0 {pack_format = #tpu.pack_format<interleaved>} : vector<32xbf16> -> vector<16xf32>
        %unpack3A_419 = tpu.unpack_subelements %add3A_332, 1 {pack_format = #tpu.pack_format<interleaved>} : vector<32xbf16> -> vector<16xf32>
        %add3A_420 = arith.addf %add3A_404, %unpack3A_418 : vector<16xf32>
        %add3A_421 = arith.addf %add3A_405, %unpack3A_419 : vector<16xf32>
        %unpack3A_422 = tpu.unpack_subelements %add3A_355, 0 {pack_format = #tpu.pack_format<interleaved>} : vector<32xbf16> -> vector<16xf32>
        %unpack3A_423 = tpu.unpack_subelements %add3A_355, 1 {pack_format = #tpu.pack_format<interleaved>} : vector<32xbf16> -> vector<16xf32>
        %add3A_424 = arith.addf %add3A_408, %unpack3A_422 : vector<16xf32>
        %add3A_425 = arith.addf %add3A_409, %unpack3A_423 : vector<16xf32>
        %unpack3A_426 = tpu.unpack_subelements %add3A_378, 0 {pack_format = #tpu.pack_format<interleaved>} : vector<32xbf16> -> vector<16xf32>
        %unpack3A_427 = tpu.unpack_subelements %add3A_378, 1 {pack_format = #tpu.pack_format<interleaved>} : vector<32xbf16> -> vector<16xf32>
        %add3A_428 = arith.addf %add3A_412, %unpack3A_426 : vector<16xf32>
        %add3A_429 = arith.addf %add3A_413, %unpack3A_427 : vector<16xf32>
        %unpack3A_430 = tpu.unpack_subelements %add3A_389, 0 {pack_format = #tpu.pack_format<interleaved>} : vector<32xbf16> -> vector<16xf32>
        %unpack3A_431 = tpu.unpack_subelements %add3A_389, 1 {pack_format = #tpu.pack_format<interleaved>} : vector<32xbf16> -> vector<16xf32>
        %add3A_432 = arith.addf %add3A_416, %unpack3A_430 : vector<16xf32>
        %add3A_433 = arith.addf %add3A_417, %unpack3A_431 : vector<16xf32>
        %add3A_434 = arith.addf %add3A_432, %add3A_420 : vector<16xf32>
        %add3A_435 = arith.addf %add3A_424, %add3A_428 : vector<16xf32>
        %add3A_436 = arith.addf %add3A_434, %add3A_435 : vector<16xf32>
        %add3A_437 = arith.addf %add3A_433, %add3A_421 : vector<16xf32>
        %add3A_438 = arith.addf %add3A_425, %add3A_429 : vector<16xf32>
        %add3A_439 = arith.addf %add3A_437, %add3A_438 : vector<16xf32>
        %mul3A_440 = arith.mulf %add3A_436, %gather3A : vector<16xf32>
        %mul3A_441 = arith.mulf %gather3A_102, %unpack3A_74 : vector<16xf32>
        %sub3A = arith.subf %mul3A_440, %mul3A_441 : vector<16xf32>
        %mul3A_442 = arith.mulf %add3A_439, %gather3A : vector<16xf32>
        %mul3A_443 = arith.mulf %gather3A_102, %unpack3A_75 : vector<16xf32>
        %sub3A_444 = arith.subf %mul3A_442, %mul3A_443 : vector<16xf32>
        %reshape3A = vector.shape_cast %shift_right_arithmetic3A_79 : vector<16xi32> to vector<16x1xi32>
        %gather3A_445 = vector.shape_cast %reshape3A : vector<16x1xi32> to vector<16xi32>
        %gather3A_446 = tpu.dynamic_gather %sub3A[%gather3A_445] in [0] : vector<16xf32>, vector<16xi32> -> vector<16xf32>
        %reshape3A_447 = vector.shape_cast %shift_right_arithmetic3A_79 : vector<16xi32> to vector<16x1xi32>
        %gather3A_448 = vector.shape_cast %reshape3A_447 : vector<16x1xi32> to vector<16xi32>
        %gather3A_449 = tpu.dynamic_gather %sub3A_444[%gather3A_448] in [0] : vector<16xf32>, vector<16xi32> -> vector<16xf32>
        %select_n3A = arith.select %eq3A_85, %gather3A_446, %gather3A_449 : vector<16xi1>, vector<16xf32>
        %add3A_450 = arith.constant 8 : i32
        %add3A_451 = vector.broadcast %add3A_450 : i32 to vector<16xi32>
        %add3A_452 = arith.addi %shift_right_arithmetic3A_79, %add3A_451 : vector<16xi32>
        %reshape3A_453 = vector.shape_cast %add3A_452 : vector<16xi32> to vector<16x1xi32>
        %gather3A_454 = vector.shape_cast %reshape3A_453 : vector<16x1xi32> to vector<16xi32>
        %gather3A_455 = tpu.dynamic_gather %sub3A[%gather3A_454] in [0] : vector<16xf32>, vector<16xi32> -> vector<16xf32>
        %add3A_456 = arith.constant 8 : i32
        %add3A_457 = vector.broadcast %add3A_456 : i32 to vector<16xi32>
        %add3A_458 = arith.addi %shift_right_arithmetic3A_79, %add3A_457 : vector<16xi32>
        %reshape3A_459 = vector.shape_cast %add3A_458 : vector<16xi32> to vector<16x1xi32>
        %gather3A_460 = vector.shape_cast %reshape3A_459 : vector<16x1xi32> to vector<16xi32>
        %gather3A_461 = tpu.dynamic_gather %sub3A_444[%gather3A_460] in [0] : vector<16xf32>, vector<16xi32> -> vector<16xf32>
        %select_n3A_462 = arith.select %eq3A_85, %gather3A_455, %gather3A_461 : vector<16xi1>, vector<16xf32>
        %swap3A = arith.index_cast %scan3A_98 : i32 to index
        %swap3A_463 = arith.constant 0 : index
        %swap3A_464 = tpu.vector_load %arg9[%swap3A, %swap3A_463] {strides = array<i32>} : memref<64x32xf32, #tpu.memory_space<vmem>>, vector<16xf32>,
        tpu.vector_store %arg9[%swap3A, %swap3A_463], %select_n3A {strides = array<i32>} : memref<64x32xf32, #tpu.memory_space<vmem>>, vector<16xf32>,
        %swap3A_465 = arith.index_cast %scan3A_98 : i32 to index
        %swap3A_466 = arith.constant 16 : index
        %swap3A_467 = tpu.vector_load %arg9[%swap3A_465, %swap3A_466] {strides = array<i32>} : memref<64x32xf32, #tpu.memory_space<vmem>>, vector<16xf32>,
        tpu.vector_store %arg9[%swap3A_465, %swap3A_466], %select_n3A_462 {strides = array<i32>} : memref<64x32xf32, #tpu.memory_space<vmem>>, vector<16xf32>,
      }
      %scan3A_94 = arith.constant 64 : i32
      %mul3A_95 = arith.constant 64 : i32
      %mul3A_96 = arith.muli %add3A_63, %mul3A_95 : i32
      %add3A_97 = arith.addi %mul3A_2, %mul3A_96 : i32
      "tpu.region"() ({
        %run_scoped3A = tpu.sem_alloc : memref<!tpu.dma_semaphore, #tpu.memory_space<semaphore_mem>>
        %dma_start3A_98 = arith.constant 0 : i32
        %dma_start3A_99 = tpu.memref_slice %arg4[%add3A_97, %dma_start3A_98] : memref<16384x32xf32, #tpu.memory_space<hbm>> -> memref<64x32xf32, #tpu.memory_space<hbm>>
        %dma_start3A_100 = arith.constant 0 : i32
        %dma_start3A_101 = tpu.memref_slice %arg4[%add3A_97, %dma_start3A_100] : memref<16384x32xf32, #tpu.memory_space<hbm>> -> memref<64x32xf32, #tpu.memory_space<hbm>>
        tpu.enqueue_dma source(%arg9 : memref<64x32xf32, #tpu.memory_space<vmem>>) target(%dma_start3A_101 : memref<64x32xf32, #tpu.memory_space<hbm>>) target_semaphore(%run_scoped3A : memref<!tpu.dma_semaphore, #tpu.memory_space<semaphore_mem>>)
        %dma_wait3A_102 = arith.constant 0 : i32
        %dma_wait3A_103 = tpu.memref_slice %arg4[%add3A_97, %dma_wait3A_102] : memref<16384x32xf32, #tpu.memory_space<hbm>> -> memref<64x32xf32, #tpu.memory_space<hbm>>
        %dma_wait3A_104 = arith.constant 0 : i32
        %dma_wait3A_105 = tpu.memref_slice %arg4[%add3A_97, %dma_wait3A_104] : memref<16384x32xf32, #tpu.memory_space<hbm>> -> memref<64x32xf32, #tpu.memory_space<hbm>>
        tpu.wait_dma2 semaphore(%run_scoped3A : memref<!tpu.dma_semaphore, #tpu.memory_space<semaphore_mem>>) src(%arg9 : memref<64x32xf32, #tpu.memory_space<vmem>>) dst(%dma_wait3A_105 : memref<64x32xf32, #tpu.memory_space<hbm>>)
        tpu.yield
      }) : () -> ()
    }
    %scan3A_17 = arith.constant 4 : i32
    return
  }
}

</mosaic_0001>

<sc_bundles>
// kernel: _run.3.cloned.1.call-start
scs
__scs_entry_jumppad:
0x0: {  	(pc) =	sbr.rel $0x88, $3  }
0x1: {  	(tag) =	ssettag $0x0;
	lr =	simm.s32 $0x1  }
0x2: {  	[smem:$0x3F9F] =	sst lr;
	_ =	strace $0xD0000000  }
0x3: {  	_ = 	snop  }
0x4: {  	_ = 	snop  }
0x5: {  	_ = 	snop  }
0x6: {  	_ = 	snop  }
0x7: {  	_ = 	snop  }
__scs_overlays_trampoline_lowered:
0x8: {  	[smem:$0x3FAE] =	sst s0  }
0x9: {  	[smem:$0x3FAF] =	sst s1  }
0xa: {  	[smem:$0x3FB0] =	sst s2  }
0xb: {  	[smem:$0x3FB1] =	sst s3  }
0xc: {  	[smem:$0x3FB2] =	sst s4  }
0xd: {  	[smem:$0x3FB3] =	sst s5  }
0xe: {  	[smem:$0x3FB4] =	sst s6  }
0xf: {  	[smem:$0x3FB5] =	sst s7  }
0x10: {  	[smem:$0x3FB6] =	sst s8  }
0x11: {  	[smem:$0x3FB7] =	sst s9;
	s0 =	simm.s32 @!p0 $0x0  }
0x12: {  	s1 =	sld [smem:$0x3F9D];
	s0 =	simm.s32 @p0 $0x1  }
0x13: {  	[smem:$0x3FB8] =	sst s0;
	s0 =	simm.s32 @!p1 $0x0  }
0x14: {  	s2 =	sld [smem:$0x3F9C];
	s0 =	simm.s32 @p1 $0x1  }
0x15: {  	[smem:$0x3FB9] =	sst s0;
	s0 =	simm.s32 @!p2 $0x0  }
0x16: {  	s3 =	sld [smem:$0x3FDB];
	s0 =	simm.s32 @p2 $0x1  }
0x17: {  	s4 =	simm.s32 $0x1BF5;
	[smem:$0x3FBB] =	sst s0  }
0x18: {  	s0 =	sld [smem:$0x3F9E];
	_ =	swait.ge [sflag:s4], $0x0  }
0x19: {  	s7 =	sld [smem:$0x3F9F]  }
0x1a: {  	s8 =	sadd.s32 $0xFFFFE003, lr  }
0x1b: {  	s9 =	sadd.s32 $0xFFFFFEF7, lr;
	s5 =	simm.s32 $0xFFFFFFFF;
	p2 =	slt.u32 s8, $0xFFFFF086  }
0x1c: {  	p1 =	slt.u32 s9, $0xF7A;
	s5 =	simm.s32 @!p2 $0x0  }
0x1d: {  	s5 =	simm.s32 @p1 $0x1;
	p0 =	seq.s32 s7, s2  }
0x1e: {  	s7 =	smul.u32 @!p0 $0xF7A, s2;
	p2 =	seq.s32 @!p0 s5, $0x0  }
0x1f: {  	s9 =	smul.u32 $0xF7A, s1;
	s8 =	simm.s32 @!p0 $0x1BF5;
	p2 =	por !p2, p0  }
0x20: {  	[sflag:s8] =	ssyncset.s32 @!p0 $0xFFFFF086;
	s6 =	sadd.s32 @!p0 s3, s7;
	s7 =	simm.s32 @!p0 $0x108  }
0x21: {  	s3 =	sadd.s32 s3, s9;
	s6 =	sadd.s32 @!p0 $0x88, s6;
	s7 =	simm.s32 @p2 $0x1082  }
0x22: {  	[simem:s7], [sflag:s8] =	dma.local @!p0 [hbm:s6], $0xF7A  }
0x23: {  	s9 =	sor.u32 $0xD0000000, s2;
	s6 =	simm.s32 $0x108;
	_ =	swait.ge @!p0 [sflag:s8], $0x0  }
0x24: {  	s3 =	sadd.s32 $0x88, s3;
	s6 =	simm.s32 @!p1 $0x1082;
	[sflag:s4] =	ssyncset.s32 $0xFFFFF086  }
0x25: {  	[simem:s6], [sflag:s4] =	dma.local [hbm:s3], $0xF7A  }
0x26: {  	[smem:$0x3F9F] =	sst s1;
	(tag) =	ssettag s2;
	_ =	strace s9  }
0x27: {  	s1 =	sld [smem:$0x3FAF]  }
0x28: {  	s2 =	sld [smem:$0x3FB0]  }
0x29: {  	s4 =	sld [smem:$0x3FB2]  }
0x2a: {  	p0 =	seq.s32 s5, $0x0;
	s5 =	sld [smem:$0x3FB3]  }
0x2b: {  	s6 =	sld [smem:$0x3FB4]  }
0x2c: {  	s7 =	sld [smem:$0x3FB5]  }
0x2d: {  	s3 =	simm.s32 $0x108;
	s8 =	sld [smem:$0x3FB6]  }
0x2e: {  	s3 =	simm.s32 @!p0 $0x1082;
	s9 =	sld [smem:$0x3FB7]  }
0x2f: {  	lr =	sadd.s32 s0, s3;
	s0 =	sld [smem:$0x3FAE]  }
0x30: {  	s3 =	sld [smem:$0x3FB1]  }
0x31: {  	[smem:$0x3FBA] =	sst s10  }
0x32: {  	s10 =	sld [smem:$0x3FB8];
	_ =	sdelay $0x3  }
0x33: {  	p0 =	seq.s32 s10, $0x1;
	s10 =	sld [smem:$0x3FBA];
	_ =	sdelay $0x3  }
0x34: {  	[smem:$0x3FBA] =	sst s10  }
0x35: {  	s10 =	sld [smem:$0x3FB9];
	_ =	sdelay $0x3  }
0x36: {  	p1 =	seq.s32 s10, $0x1;
	s10 =	sld [smem:$0x3FBA];
	_ =	sdelay $0x3  }
0x37: {  	[smem:$0x3FBA] =	sst s10  }
0x38: {  	s10 =	sld [smem:$0x3FBB]  }
0x39: {  	_ = 	snop;
	(pc) =	sbr.ind lr, $3  }
0x3a: {  	_ = 	snop  }
0x3b: {  	_ = 	snop  }
0x3c: {  	p2 =	seq.s32 s10, $0x1;
	s10 =	sld [smem:$0x3FBA]  }
0x3d: {  	_ =	shalt  }
0x3e: {  	_ =	shalt  }
0x3f: {  	_ =	shalt  }
0x40: {  	_ =	shalt  }
0x41: {  	_ =	shalt  }
0x42: {  	_ =	shalt  }
0x43: {  	_ =	shalt  }
0x44: {  	_ =	shalt  }
0x45: {  	_ =	shalt  }
0x46: {  	_ =	shalt  }
0x47: {  	_ =	shalt  }
0x48: {  	_ =	shalt  }
0x49: {  	_ =	shalt  }
0x4a: {  	_ =	shalt  }
0x4b: {  	_ =	shalt  }
0x4c: {  	_ =	shalt  }
0x4d: {  	_ =	shalt  }
0x4e: {  	_ =	shalt  }
0x4f: {  	_ =	shalt  }
0x50: {  	_ =	shalt  }
0x51: {  	_ =	shalt  }
0x52: {  	_ =	shalt  }
0x53: {  	_ =	shalt  }
0x54: {  	_ =	shalt  }
0x55: {  	_ =	shalt  }
0x56: {  	_ =	shalt  }
0x57: {  	_ =	shalt  }
0x58: {  	_ =	shalt  }
0x59: {  	_ =	shalt  }
0x5a: {  	_ =	shalt  }
0x5b: {  	_ =	shalt  }
0x5c: {  	_ =	shalt  }
0x5d: {  	_ =	shalt  }
0x5e: {  	_ =	shalt  }
0x5f: {  	_ =	shalt  }
0x60: {  	_ =	shalt  }
0x61: {  	_ =	shalt  }
0x62: {  	_ =	shalt  }
0x63: {  	_ =	shalt  }
0x64: {  	_ =	shalt  }
0x65: {  	_ =	shalt  }
0x66: {  	_ =	shalt  }
0x67: {  	_ =	shalt  }
0x68: {  	_ =	shalt  }
0x69: {  	_ =	shalt  }
0x6a: {  	_ =	shalt  }
0x6b: {  	_ =	shalt  }
0x6c: {  	_ =	shalt  }
0x6d: {  	_ =	shalt  }
0x6e: {  	_ =	shalt  }
0x6f: {  	_ =	shalt  }
0x70: {  	_ =	shalt  }
0x71: {  	_ =	shalt  }
0x72: {  	_ =	shalt  }
0x73: {  	_ =	shalt  }
0x74: {  	_ =	shalt  }
0x75: {  	_ =	shalt  }
0x76: {  	_ =	shalt  }
0x77: {  	_ =	shalt  }
0x78: {  	_ =	shalt  }
0x79: {  	_ =	shalt  }
0x7a: {  	_ =	shalt  }
0x7b: {  	_ =	shalt  }
0x7c: {  	_ =	shalt  }
0x7d: {  	_ =	shalt  }
0x7e: {  	_ =	shalt  }
0x7f: {  	_ =	shalt  }
0x80: {  	_ =	shalt  }
0x81: {  	_ =	shalt  }
0x82: {  	_ =	shalt  }
0x83: {  	_ =	shalt  }
0x84: {  	_ =	shalt  }
0x85: {  	_ =	shalt  }
0x86: {  	_ =	shalt  }
0x87: {  	_ =	shalt  }
.Lfunc_end0:
.L_simem_size_0:
called_computation_lowered:
.L_overlay_start_0:
0x88: {  	s2 =	sld [smem:$0x3FD9]  }
0x89: {  	s3 =	sld [smem:$0x3FFE];
	_ =	sdelay $0x1  }
0x8a: {  	s1 =	srdreg.scid  }
0x8b: {  	s0 =	sand.u32 $0x1, s1  }
0x8c: {  	s17 =	sshll.u32 s0, $0xA;
	s2 =	sadd.s32 s3, s2  }
0x8d: {  	s2 =	sadd.s32 s2, s17  }
0x8e: {  	[smem:$0x3FC6] =	sst s2  }
0x8f: {  	_ = 	snop  }
0x90: {  	s2 =	sld [smem:$0x3FC9]  }
0x91: {  	s18 =	sld [smem:$0x3FD0];
	(tm) =	ssettm $0x1  }
0x92: {  	s4 =	sld [smem:$0x3FFB];
	_ =	sdelay $0x3  }
0x93: {  	_ =	strace s4  }
0x94: {  	s4 =	sld [smem:$0x3FFC];
	_ =	sdelay $0x3  }
0x95: {  	_ =	strace s4  }
0x96: {  	s4 =	sld [smem:$0x3FFD];
	_ =	sdelay $0x3  }
0x97: {  	_ =	strace s4  }
0x98: {  	_ =	strace $0x8FFFFFFF  }
0x99: {  	s19 =	sld [smem:$0x3FDB];
	_ =	sdelay $0x1  }
0x9a: {  	s5 =	simm.s32 $_scs_section_size  }
0x9b: {  	s6 =	simm.s32 $_size__tile_overlayer_lowered;
	s7 =	simm.s32 $_tile_overlayer_lowered  }
0x9c: {  	s22 =	simm.s32 $0x1BFF;
	s21 =	sshll.u32 s7, $0x1;
	s4 =	sadd.s32 s5, s19  }
0x9d: {  	s8 =	simm.s32 $0x0;
	s20 =	sshll.u32 s6, $0x1;
	s6 =	sadd.s32 s21, s4  }
0x9e: {  	[timem:s8], [sflag:s22] =	dma.local [hbm:s6], s20  }
0x9f: {  	_ =	swait.ge [sflag:s22], s20  }
0xa0: {  	s5 =	ssub.s32 $0x0, s20;
	[sflag:s22] =	ssyncset.done $0x0  }
0xa1: {  	[sflag:s22] =	ssyncadd.s32 s5;
	_ =	sdelay $0x1  }
0xa2: {  	s23 =	simm.s32 $0x1B8B  }
0xa3: {  	_ =	swait.ge [sflag:s23], $0x1  }
0xa4: {  	[sflag:s23] =	ssyncset.done $0x0  }
0xa5: {  	s25 =	simm.s32 $0x1B8E;
	s24 =	sld [smem:$0x3FFE];
	[sflag:s23] =	ssyncadd.s32 $0xFFFFFFFF  }
0xa6: {  	s26 =	simm.s32 $execute0_lowered;
	[smem:$0x3FD2] =	sst s25  }
0xa7: {  	s6 =	sshll.u32 s26, $0x1;
	_ =	strace $0x80000046;
	[dreg:$0x1] =	wrdreg $0xFFFFFFFF  }
0xa8: {  	s28 =	simm.s32 $_size_execute0_lowered;
	s4 =	sadd.s32 s4, s6;
	[dreg:$0x0] =	wrdreg $0x0  }
0xa9: {  	s6 =	sshll.u32 s28, $0x1;
	[dreg:$0x2] =	wrdreg s4  }
0xaa: {  	[dreg:$0x3] =	wrdreg s6  }
0xab: {  	[dreg:$0x4] =	wrdreg $0xC0  }
0xac: {  	_ =	task [dreg:s8], $0x5FFFF  }
0xad: {  	[dreg:$0x1] =	wrdreg $0xFFFFFFFF  }
0xae: {  	[dreg:$0x0] =	wrdreg $0x60  }
0xaf: {  	[dreg:$0x2] =	wrdreg s2  }
0xb0: {  	[dreg:$0x3] =	wrdreg s24  }
0xb1: {  	[dreg:$0x4] =	wrdreg s18  }
0xb2: {  	[dreg:$0x5] =	wrdreg $0x1B1900  }
0xb3: {  	[dreg:$0x6] =	wrdreg $0x9  }
0xb4: {  	_ =	task.clear_ibuf [dreg:s8], $0x7FFFF;
	_ =	strace $0x90000046  }
0xb5: {  	s29 =	simm.s32 $0x9;
	_ =	strace $0x80000048  }
0xb6: {  	_ =	swait.ge [sflag:s29], $0x1  }
0xb7: {  	[sflag:s29] =	ssyncadd.s32 $0xFFFFFFFF  }
0xb8: {  	_ =	strace $0x90000048  }
0xb9: {  	_ =	sfence  }
0xba: {  	s30 =	sld [smem:$0x0];
	_ =	sdelay $0x2  }
0xbb: {  	s31 =	sshll.u32 s1, $0xD;
	s1 =	sshrl.u32 s1, $0x2  }
0xbc: {  	s3 =	sand.u32 $0x4000, s31;
	s1 =	sadd.s32 s1, s30  }
0xbd: {  	s0 =	sor.u32 s3, s0;
	s1 =	sshll.u32 s1, $0x11  }
0xbe: {  	s0 =	sor.u32 s1, s0  }
0xbf: {  	s0 =	sadd.s32 $0x8F2B, s0  }
0xc0: {  	[sflag:s0] =	ssyncadd.remote.s32 $0x1  }
0xc1: {  	_ =	sfence.sel $0xFFFF  }
0xc2: {  	[dreg:$0x0] =	wrdreg $0xFFFFFFFF;
	(pc) =	sbr.abs _section_cstart, $3  }
0xc3: {  	[dreg:$0x1] =	wrdreg $0xFFFFFFFF  }
0xc4: {  	_ =	task.clear_ibuf [dreg:s8], $0x2FFFF;
	_ =	strace $0x9FFFFFFF  }
0xc5: {  	(tm) =	ssettm $0x7FFFFFFF  }
tec
execute0_lowered:
.L_overlay_start_1:
0x0: {  	(tag) =	ssettag $0x1  }
0x1: {  	s1 =	rddreg [dreg:$0x0]  }
0x2: {  	s0 =	rddreg [dreg:$0x1]  }
0x3: {  	s2 =	rddreg [dreg:$0x2]  }
0x4: {  	s3 =	rddreg [dreg:$0x3];
	s5 =	simm.s32 $0x0;
	s4 =	srdreg.scid  }
0x5: {  	s14 =	stileid.u32;
	s17 =	simm.s32 $0xC80;
	s18 =	simm.s32 $0xD480  }
0x6: {  	s19 =	simm.s32 $0xE100;
	s20 =	simm.s32 $0x1;
	s21 =	simm.s32 $0x1B100  }
0x7: {  	s22 =	simm.s32 $0x1B140;
	s23 =	simm.s32 $0x1A900;
	s24 =	simm.s32 $0x2  }
0x8: {  	s25 =	simm.s32 $0x0;
	[smem:$0x7FF] =	sst s5;
	s4 =	sand.u32 $0x1, s4  }
0x9: {  	vm0 =	vcmask $0xB08;
	vm1 =	vcmask $0x300;
	s8 =	sshll.u32 s14, $0x1;
	s9 =	smul.u32 $0x4E20, s14;
	s6 =	sadd.s32 $0x400, s0  }
0xa: {  	vm0 =	vmor vm1, vm0;
	vm1 =	vcmask $0x1310;
	s31 =	sshll.u32 s14, $0x6;
	s14 =	simm.s32 $0x3;
	_ =	strace $0x80000047  }
0xb: {  	s7 =	ssub.s32 $0x2, s4;
	s4 =	sor.u32 s4, s8;
	vm0 =	vmor vm0, vm1;
	vm1 =	vcmask $0x1B18;
	s15 =	sor.u32 $0x1C03, s31  }
0xc: {  	s28 =	sshrl.u32 s7, $0x1;
	s29 =	sshrl.u32 s9, $0x1;
	s8 =	smul.u32 $0xC80, s4;
	vm0 =	vmor vm0, vm1;
	vm1 =	vcmask $0x2320  }
0xd: {  	v1 =	vlaneseq.u32;
	s12 =	sshll.u32 s4, $0x9;
	s30 =	sshrl.u32 s9, $0x4;
	s4 =	sshll.u32 s4, $0xB;
	vm0 =	vmor vm0, vm1;
	vm1 =	vcmask $0x2B28  }
0xe: {  	v0 =	vmul.u32 $0x32, v1;
	s0 =	ssub.s32 s7, s28;
	s13 =	sadd.s32 s29, s3;
	s7 =	sadd.s32 s6, s30;
	vm0 =	vmor vm0, vm1;
	vm1 =	vcmask $0x3330  }
0xf: {  	v1 =	vshrl.u32 v1, $0x1;
	s9 =	sadd.s32 s2, s4;
	s10 =	sor.u32 $0x80, s12;
	s12 =	sor.u32 $0x40, s12;
	vm0 =	vmor vm0, vm1;
	vm1 =	vcmask $0x3B38  }
0x10: {  	v2 =	vimm.s32 $0x0;
	v3 =	vor.u32 $0x8, v1;
	s8 =	sadd.s32 s1, s8;
	s11 =	smax.u32 s0, $0x1;
	s16 =	sshrl.u32 s13, $0x3;
	vm0 =	vmor vm0, vm1  }
.LBB2_1:
0x11: {  	s0 =	simm.s32 $0x1B180  }
0x12: {  	[tilespmem:s0], [sflag:$0x3] =	stream.linear.gather [hbm4b:s6+s5], $0x10, $0x38;
	[tilespmem:$0x1D8A0] =	vst v63  }
0x13: {  	_ =	swait.ge [sflag:s14], $0x10  }
0x14: {  	[sflag:s14] =	ssyncset.done $0x0  }
0x15: {  	[sflag:s14] =	ssyncadd.s32 $0xFFFFFFF0  }
0x16: {  	[spmem:s16], [sflag:s15] =	dma.local [hbm:s7], $0x4E2  }
0x17: {  	_ =	swait.ge [sflag:s14], $0x4E2  }
0x18: {  	[sflag:s14] =	ssyncset.done $0x0  }
0x19: {  	[sflag:s14] =	ssyncadd.s32 $0xFFFFFB1E  }
0x1a: {  	[bflag:$0x0] =	sbarrier.arrive $0xFFFF  }
0x1b: {  	[tilespmem:s5], [sflag:$0x3] =	stream.linear.gather [hbm4b:s8+s5], $0xC80, $0x38;
	[tilespmem:$0x1D8A0] =	vst v63  }
0x1c: {  	_ =	swait.ge [sflag:s14], $0xC80  }
0x1d: {  	[sflag:s14] =	ssyncset.done $0x0  }
0x1e: {  	s26 =	simm.s32 $0x0;
	[sflag:s14] =	ssyncadd.s32 $0xFFFFF380  }
0x1f: {  	[tilespmem:s17], [sflag:$0x1] =	stream.indirect.gather [spmem:s3], $0x10, s5, s17, $0xb8;
	[tilespmem:$0x1D8A0] =	vst v63  }
.LBB2_2:
0x20: {  	s29 =	sshll.u32 s26, $0x7  }
0x21: {  	s28 =	sor.u32 s12, s29  }
0x22: {  	s0 =	smul.u32 $0x32, s28;
	_ =	sdelay $0x1  }
0x23: {  	s0 =	sshrl.u32 s0, $0x3  }
0x24: {  	s4 =	sadd.s32 s1, s0;
	s0 =	simm.s32 $0x0  }
0x25: {  	[tilespmem:s18], [sflag:$0x3] =	stream.linear.gather [hbm4b:s4+s0], $0xC80, $0x38;
	[tilespmem:$0x1D8A0] =	vst v63  }
0x26: {  	_ =	swait.ge [sflag:s14], $0xC80  }
0x27: {  	[sflag:s14] =	ssyncset.done $0x0  }
0x28: {  	[sflag:s14] =	ssyncadd.s32 $0xFFFFF380  }
0x29: {  	[tilespmem:s19], [sflag:$0x2] =	stream.indirect.gather [spmem:s3], $0x10, s18, s17, $0xb8;
	[tilespmem:$0x1D8A0] =	vst v63  }
.LBB2_3:
0x2a: {  	s4 =	smul.u32 $0x320, s0;
	_ =	sdelay $0x1  }
0x2b: {  	s13 =	sadd.s32 $0x0, s4  }
0x2c: {  	v5 =	vadd.s32 s13, v0;
	_ =	sdelay $0x3  }
0x2d: {  	s30 =	sadd.s32 $0x1, s4  }
0x2e: {  	v6 =	vadd.s32 s30, v0;
	v5 =	vld.idx.msk [tilespmem:v5+s5+$0x0], $0xffff  }
0x2f: {  	v4 =	vimm.s32 $0x0;
	s13 =	simm.s32 $0x2  }
.LBB2_4:
0x30: {  	p0 =	sne.s32 s13, $0x31  }
.Ltmp0:
0x31: {  	_ = 	snop;
	(pc) =	sbr.rel @p0 .LBB2_4-.Ltmp0, $4  }
0x32: {  	_ = 	snop  }
0x33: {  	s30 =	sadd.s32 s4, s13;
	s13 =	sadd.s32 $0x1, s13;
	vm1 =	vne.s32 v5, $0x0;
	v5 =	vld.idx.msk [tilespmem:v6+s5+$0x0], $0xffff  }
0x34: {  	v6 =	vadd.s32 s30, v0;
	v7 =	vsel vm1, $0x1, v2  }
0x35: {  	v4 =	vadd.s32 v7, v4  }
0x36: {  	_ =	sdelay $0x3  }
0x37: {  	v6 =	vld.idx.msk [tilespmem:v6+s5+$0x0], $0xffff;
	_ =	sdelay $0x3  }
0x38: {  	vm1 =	vne.s32 v5, $0x0  }
0x39: {  	v5 =	vsel vm1, $0x1, v2;
	vm1 =	vne.s32 v6, $0x0  }
0x3a: {  	v4 =	vadd.s32 v5, v4;
	v5 =	vsel vm1, $0x1, v2  }
0x3b: {  	v4 =	vadd.s32 v5, v4  }
0x3c: {  	v4 =	vcvt.s32.f32 v4;
	_ =	sdelay $0x1  }
0x3d: {  	v5 =	vmax.f32 v4, $1.000000000e+00  }
0x3e: {  	(erf) = vrcp.f32 v5;
	_ =	sdelay $0x5  }
0x3f: {  	s4 =	sshll.u32 s0, $0x4;
	s0 =	sadd.s32 $0x1, s0  }
0x40: {  	p0 =	sne.s32 s0, $0x4  }
.Ltmp1:
0x41: {  	v4 =	vsub.f32 $5.000000000e+01, v4;
	(pc) =	sbr.rel @p0 .LBB2_3-.Ltmp1, $4  }
0x42: {  	v5 =	vpop (erf)  }
0x43: {  	v4 =	vmul.f32 v5, v4  }
0x44: {  	[tilespmem:s4+$0x1B100] =	vst v5  }
0x45: {  	[tilespmem:s4+$0x1B140] =	vst v4  }
0x46: {  	v5 =	vld [tilespmem:$0x1B180];
	_ =	swait.ge [sflag:s20], $0xC800  }
0x47: {  	[sflag:s20] =	ssyncset.done $0x0  }
0x48: {  	s30 =	simm.s32 $0xE10;
	[sflag:s20] =	ssyncadd.s32 $0xFFFF3800  }
0x49: {  	v4 =	vld [tilespmem:s30+$0x80]  }
0x4a: {  	v6 =	vld [tilespmem:s30+$0x70]  }
0x4b: {  	v7 =	vld [tilespmem:s30+$0x140]  }
0x4c: {  	v8 =	vld [tilespmem:s30+$0x130]  }
0x4d: {  	v9 =	vld [tilespmem:s30+$0x100]  }
0x4e: {  	v10 =	vld [tilespmem:s30+$0xFFFFFF90]  }
0x4f: {  	v11 =	vld [tilespmem:s30+$0xF0]  }
0x50: {  	v12 =	vld [tilespmem:s30+$0xFFFFFF80]  }
0x51: {  	v13 =	vld [tilespmem:s30+$0xFFFFFF70]  }
0x52: {  	v14 =	vld [tilespmem:s30+$0xFFFFFF60]  }
0x53: {  	v15 =	vld [tilespmem:s30+$0xFFFFFF50]  }
0x54: {  	v16 =	vld [tilespmem:s30+$0xFFFFFFF0]  }
0x55: {  	v17 =	vld [tilespmem:s30+$0xA0]  }
0x56: {  	v18 =	vld [tilespmem:s30+$0x50]  }
0x57: {  	v19 =	vld [tilespmem:s30+$0xFFFFFFD0]  }
0x58: {  	v20 =	vld [tilespmem:s30+$0x20]  }
0x59: {  	v21 =	vld [tilespmem:s30+$0x10]  }
0x5a: {  	v22 =	vld [tilespmem:s30+$0x0]  }
0x5b: {  	v23 =	vld [tilespmem:s30+$0x120]  }
0x5c: {  	v24 =	vld [tilespmem:s30+$0x110]  }
0x5d: {  	v25 =	vld [tilespmem:s30+$0x90]  }
0x5e: {  	v26 =	vld [tilespmem:s30+$0x160]  }
0x5f: {  	v27 =	vld [tilespmem:s30+$0x150]  }
0x60: {  	v28 =	vld [tilespmem:s30+$0xFFFFFFA0]  }
0x61: {  	v29 =	vld [tilespmem:s30+$0x30]  }
0x62: {  	v30 =	vld [tilespmem:s30+$0xFFFFFFC0]  }
0x63: {  	v31 =	vld [tilespmem:s30+$0xFFFFFFB0]  }
0x64: {  	v52 =	vld [tilespmem:s30+$0x60]  }
0x65: {  	v55 =	vld [tilespmem:s30+$0x40]  }
0x66: {  	v56 =	vld [tilespmem:s30+$0xFFFFFF40]  }
0x67: {  	v57 =	vld [tilespmem:s30+$0xFFFFFF30]  }
0x68: {  	v58 =	vld [tilespmem:s30+$0xFFFFFF20]  }
0x69: {  	v61 =	vld [tilespmem:s30+$0xFFFFFF00]  }
0x6a: {  	v62 =	vld [tilespmem:s30+$0xFFFFFEF0];
	v4 =	vadd.bf16 v4, v6  }
0x6b: {  	v35 =	vld [tilespmem:s30+$0xFFFFFEC0];
	v7 =	vadd.bf16 v7, v8;
	v8 =	vadd.bf16 v12, v13  }
0x6c: {  	v38 =	vld [tilespmem:s30+$0xFFFFFEB0];
	v53 =	vadd.bf16 v17, v25;
	v54 =	vadd.bf16 v26, v27  }
0x6d: {  	v46 =	vld [tilespmem:s30+$0xB0];
	v10 =	vadd.bf16 v28, v10;
	v23 =	vadd.bf16 v23, v24  }
0x6e: {  	v48 =	vld [tilespmem:s30+$0xC0];
	v16 =	vadd.bf16 v22, v16;
	v20 =	vadd.bf16 v20, v21  }
0x6f: {  	v60 =	vld [tilespmem:s30+$0xFFFFFF10];
	v59 =	vadd.bf16 v30, v31;
	v12 =	vadd.bf16 v52, v18  }
0x70: {  	v33 =	vld [tilespmem:s30+$0xFFFFFE70];
	v14 =	vadd.bf16 v14, v15;
	v63 =	vadd.bf16 v55, v29  }
0x71: {  	v41 =	vld [tilespmem:s30+$0xE0];
	v9 =	vadd.bf16 v9, v11;
	v26 =	vadd.bf16 v56, v57  }
0x72: {  	v43 =	vld [tilespmem:s30+$0xD0];
	v15 =	vadd.bf16 v61, v62;
	v17 =	vadd.bf16 v35, v38  }
0x73: {  	v6 =	vld [tilespmem:s30+$0xFFFFFFE0];
	v56 =	vadd.bf16 v48, v46;
	v16 =	vadd.bf16 v20, v16  }
0x74: {  	v25 =	vld [tilespmem:s30+$0xFFFFFEE0];
	v8 =	vadd.bf16 v10, v8;
	v12 =	vadd.bf16 v12, v63  }
0x75: {  	s0 =	simm.s32 $0x0;
	v27 =	vld [tilespmem:s30+$0xFFFFFED0];
	v9 =	vadd.bf16 v23, v9;
	v14 =	vadd.bf16 v14, v26  }
0x76: {  	v28 =	vld [tilespmem:s30+$0xFFFFFEA0];
	v55 =	vmov s0;
	v7 =	vadd.bf16 v54, v7;
	v4 =	vadd.bf16 v53, v4  }
0x77: {  	v29 =	vld [tilespmem:s30+$0xFFFFFE90];
	v20 =	vadd.bf16 v41, v43;
	v30 =	vunpack.i.u.bf16.f32 v12;
	v12 =	vunpack.i.l.bf16.f32 v12  }
0x78: {  	v31 =	vld [tilespmem:s30+$0xFFFFFE80];
	v32 =	vunpack.i.u.bf16.f32 v14;
	v14 =	vunpack.i.l.bf16.f32 v14;
	v37 =	vunpack.i.u.bf16.f32 v7  }
0x79: {  	v39 =	vunpack.i.u.bf16.f32 v16;
	v16 =	vunpack.i.l.bf16.f32 v16;
	v47 =	vunpack.i.u.bf16.f32 v9  }
0x7a: {  	v51 =	vld [tilespmem:s30+$0x180];
	v9 =	vunpack.i.l.bf16.f32 v9;
	v6 =	vadd.bf16 v6, v19;
	v19 =	vadd.bf16 v58, v60  }
0x7b: {  	v53 =	vld [tilespmem:s30+$0x170];
	v52 =	vunpack.i.l.bf16.f32 v8;
	v12 =	vadd.f32 v12, v14;
	v34 =	vadd.f32 v30, v32  }
0x7c: {  	v8 =	vunpack.i.u.bf16.f32 v8;
	v10 =	vadd.bf16 v25, v27;
	v40 =	vadd.bf16 v28, v29  }
0x7d: {  	v57 =	vunpack.i.l.bf16.f32 v4;
	v45 =	vadd.bf16 v31, v33;
	v6 =	vadd.bf16 v6, v59  }
0x7e: {  	v4 =	vunpack.i.u.bf16.f32 v4;
	v36 =	vadd.bf16 v19, v15;
	v14 =	vadd.f32 v37, v34  }
0x7f: {  	v7 =	vunpack.i.l.bf16.f32 v7;
	v15 =	vadd.bf16 v40, v45;
	v10 =	vadd.bf16 v10, v17  }
0x80: {  	v13 =	vadd.bf16 v51, v53;
	v7 =	vadd.f32 v7, v12;
	v42 =	vunpack.i.u.bf16.f32 v36  }
0x81: {  	v11 =	vunpack.i.l.bf16.f32 v36;
	v50 =	vunpack.i.u.bf16.f32 v6;
	v54 =	vunpack.i.u.bf16.f32 v15  }
0x82: {  	v15 =	vunpack.i.l.bf16.f32 v15;
	v6 =	vunpack.i.l.bf16.f32 v6;
	v11 =	vadd.f32 v16, v11  }
0x83: {  	v58 =	vunpack.i.u.bf16.f32 v10;
	v44 =	vadd.f32 v39, v42;
	v8 =	vadd.f32 v8, v54  }
0x84: {  	v10 =	vunpack.i.l.bf16.f32 v10;
	v15 =	vadd.f32 v52, v15;
	v16 =	vadd.f32 v50, v58  }
0x85: {  	v18 =	vunpack.i.u.bf16.f32 v13;
	v4 =	vadd.f32 v4, v8;
	v8 =	vadd.bf16 v20, v56  }
0x86: {  	v13 =	vunpack.i.l.bf16.f32 v13;
	v6 =	vadd.f32 v6, v10;
	v9 =	vadd.f32 v9, v11  }
0x87: {  	v49 =	vadd.f32 v47, v44;
	v15 =	vadd.f32 v57, v15;
	v59 =	vunpack.i.u.bf16.f32 v8  }
0x88: {  	v61 =	vld.idx.msk [tilespmem:v55+s22+$0x0], $0xffff;
	v8 =	vunpack.i.l.bf16.f32 v8;
	v4 =	vadd.f32 v18, v4;
	v60 =	vadd.f32 v59, v16  }
0x89: {  	v62 =	vld.idx.msk [tilespmem:v55+s21+$0x0], $0xffff;
	v6 =	vadd.f32 v8, v6;
	v8 =	vadd.f32 v13, v15  }
0x8a: {  	v11 =	vadd.f32 v14, v49;
	v4 =	vadd.f32 v4, v60  }
0x8b: {  	v7 =	vadd.f32 v7, v9;
	v6 =	vadd.f32 v8, v6  }
0x8c: {  	v8 =	vadd.f32 v4, v11  }
0x8d: {  	v4 =	vunpack.i.u.bf16.f32 v5;
	v6 =	vadd.f32 v6, v7  }
0x8e: {  	v5 =	vunpack.i.l.bf16.f32 v5;
	v7 =	vmul.f32 v8, v62;
	v8 =	vmul.f32 v61, v4  }
0x8f: {  	v63 =	vmul.f32 v61, v5;
	v6 =	vmul.f32 v6, v62  }
0x90: {  	v7 =	vsub.f32 v7, v8  }
0x91: {  	s4 =	simm.s32 $0x1;
	s31 =	simm.s32 $0x1A910;
	s0 =	simm.s32 $0x1A910;
	v6 =	vsub.f32 v6, v63  }
.LBB2_7:
0x92: {  	p0 =	sne.s32 s4, $0x3F;
	v8 =	vperm.xlane v7, v1;
	v7 =	vperm.xlane v7, v3;
	s0 =	sadd.s32 $0x20, s0;
	s30 =	sadd.s32 $0x320, s30  }
0x93: {  	s13 =	smov.u32 s4;
	s4 =	sadd.s32 $0x1, s4;
	v9 =	vperm.xlane v6, v1;
	v6 =	vperm.xlane v6, v3;
	_ =	sdelay $0x1  }
0x94: {  	v8 =	vsel vm0, v9, v8;
	v6 =	vsel vm0, v6, v7  }
0x95: {  	[tilespmem:s31+$0xFFFFFFF0] =	vst v8  }
0x96: {  	[tilespmem:s31+$0x0] =	vst v6;
	s31 =	smov.u32 s0  }
0x97: {  	v6 =	vld [tilespmem:s30+$0x80]  }
0x98: {  	v7 =	vld [tilespmem:s30+$0x70]  }
0x99: {  	v8 =	vld [tilespmem:s30+$0x140]  }
0x9a: {  	v9 =	vld [tilespmem:s30+$0x130]  }
0x9b: {  	v10 =	vld [tilespmem:s30+$0x100]  }
0x9c: {  	v11 =	vld [tilespmem:s30+$0xFFFFFF90]  }
0x9d: {  	v6 =	vadd.bf16 v6, v7;
	v7 =	vld [tilespmem:s30+$0xF0]  }
0x9e: {  	v12 =	vld [tilespmem:s30+$0xFFFFFF80]  }
0x9f: {  	v13 =	vld [tilespmem:s30+$0xFFFFFF70];
	v8 =	vadd.bf16 v8, v9  }
0xa0: {  	v9 =	vld [tilespmem:s30+$0xFFFFFF60]  }
0xa1: {  	v14 =	vld [tilespmem:s30+$0xFFFFFF50]  }
0xa2: {  	v15 =	vld [tilespmem:s30+$0xFFFFFFF0]  }
0xa3: {  	v16 =	vld [tilespmem:s30+$0xA0]  }
0xa4: {  	v12 =	vadd.bf16 v12, v13;
	v13 =	vld [tilespmem:s30+$0x50]  }
0xa5: {  	v17 =	vld [tilespmem:s30+$0xFFFFFFD0]  }
0xa6: {  	v18 =	vld [tilespmem:s30+$0x20]  }
0xa7: {  	v19 =	vld [tilespmem:s30+$0x10]  }
0xa8: {  	v20 =	vld [tilespmem:s30+$0x0]  }
0xa9: {  	v21 =	vld [tilespmem:s30+$0x120]  }
0xaa: {  	v22 =	vld [tilespmem:s30+$0x110]  }
0xab: {  	v23 =	vld [tilespmem:s30+$0x90]  }
0xac: {  	v24 =	vld [tilespmem:s30+$0x160]  }
0xad: {  	v25 =	vld [tilespmem:s30+$0x150]  }
0xae: {  	v26 =	vld [tilespmem:s30+$0xFFFFFFA0]  }
0xaf: {  	v27 =	vld [tilespmem:s30+$0x30]  }
0xb0: {  	v28 =	vld [tilespmem:s30+$0xFFFFFFC0]  }
0xb1: {  	v29 =	vld [tilespmem:s30+$0xFFFFFFB0]  }
0xb2: {  	v30 =	vld [tilespmem:s30+$0xFFFFFFE0]  }
0xb3: {  	v16 =	vadd.bf16 v16, v23;
	v23 =	vadd.bf16 v24, v25;
	v31 =	vld [tilespmem:s30+$0x60]  }
0xb4: {  	v11 =	vadd.bf16 v26, v11;
	v24 =	vld [tilespmem:s30+$0x40]  }
0xb5: {  	v21 =	vadd.bf16 v21, v22;
	v25 =	vld [tilespmem:s30+$0xFFFFFF40]  }
0xb6: {  	v18 =	vadd.bf16 v18, v19;
	v15 =	vadd.bf16 v20, v15;
	v22 =	vld [tilespmem:s30+$0xFFFFFF30]  }
0xb7: {  	v20 =	vadd.bf16 v28, v29;
	v19 =	vld [tilespmem:s30+$0xFFFFFF20];
	v17 =	vadd.bf16 v30, v17  }
0xb8: {  	v15 =	vadd.bf16 v18, v15;
	v26 =	vld [tilespmem:s30+$0xFFFFFF10];
	v13 =	vadd.bf16 v31, v13  }
0xb9: {  	v9 =	vadd.bf16 v9, v14;
	v18 =	vld [tilespmem:s30+$0xFFFFFF00];
	v14 =	vadd.bf16 v17, v20  }
0xba: {  	v7 =	vadd.bf16 v10, v7;
	v20 =	vadd.bf16 v24, v27;
	v17 =	vld [tilespmem:s30+$0xFFFFFEF0]  }
0xbb: {  	v11 =	vadd.bf16 v11, v12;
	v10 =	vld [tilespmem:s30+$0xFFFFFEE0];
	v22 =	vadd.bf16 v25, v22;
	v12 =	vunpack.i.u.bf16.f32 v14  }
0xbc: {  	v7 =	vadd.bf16 v21, v7;
	v13 =	vadd.bf16 v13, v20;
	v24 =	vld [tilespmem:s30+$0xFFFFFED0]  }
0xbd: {  	v20 =	vld [tilespmem:s30+$0xFFFFFEA0];
	v19 =	vadd.bf16 v19, v26;
	v9 =	vadd.bf16 v9, v22  }
0xbe: {  	v8 =	vadd.bf16 v23, v8;
	v22 =	vunpack.i.u.bf16.f32 v13;
	v13 =	vunpack.i.l.bf16.f32 v13;
	v21 =	vld [tilespmem:s30+$0xFFFFFE90]  }
0xbf: {  	v23 =	vld [tilespmem:s30+$0xFFFFFE80];
	v17 =	vadd.bf16 v18, v17;
	v18 =	vunpack.i.u.bf16.f32 v9;
	v9 =	vunpack.i.l.bf16.f32 v9  }
0xc0: {  	v25 =	vld [tilespmem:s30+$0xFFFFFE70];
	v9 =	vadd.f32 v13, v9;
	v13 =	vadd.f32 v22, v18  }
0xc1: {  	v18 =	vld [tilespmem:s30+$0xFFFFFEC0];
	v10 =	vadd.bf16 v10, v24;
	v17 =	vadd.bf16 v19, v17;
	v19 =	vunpack.i.u.bf16.f32 v8  }
0xc2: {  	v24 =	vunpack.i.u.bf16.f32 v15;
	v15 =	vunpack.i.l.bf16.f32 v15;
	v22 =	vld [tilespmem:s30+$0xFFFFFEB0];
	v13 =	vadd.f32 v19, v13  }
0xc3: {  	v19 =	vadd.bf16 v20, v21;
	v20 =	vld [tilespmem:s30+$0xE0];
	v21 =	vunpack.i.u.bf16.f32 v17;
	v17 =	vunpack.i.l.bf16.f32 v17  }
0xc4: {  	v26 =	vld [tilespmem:s30+$0xD0];
	v15 =	vadd.f32 v15, v17;
	v17 =	vadd.f32 v24, v21  }
0xc5: {  	v24 =	vunpack.i.u.bf16.f32 v7;
	v7 =	vunpack.i.l.bf16.f32 v7;
	v21 =	vadd.bf16 v23, v25;
	v23 =	vld [tilespmem:s30+$0xB0]  }
0xc6: {  	v25 =	vmov s13;
	v27 =	vld [tilespmem:s30+$0xC0];
	v7 =	vadd.f32 v7, v15;
	v15 =	vadd.f32 v24, v17  }
0xc7: {  	v17 =	vadd.bf16 v19, v21;
	v18 =	vadd.bf16 v18, v22;
	v19 =	vld [tilespmem:s30+$0x180];
	v21 =	vunpack.i.l.bf16.f32 v11  }
0xc8: {  	v6 =	vadd.bf16 v16, v6;
	v11 =	vunpack.i.u.bf16.f32 v11;
	v16 =	vld [tilespmem:s30+$0x170];
	v13 =	vadd.f32 v13, v15  }
0xc9: {  	v15 =	vadd.bf16 v20, v26;
	v20 =	vunpack.i.u.bf16.f32 v17;
	v17 =	vunpack.i.l.bf16.f32 v17  }
0xca: {  	v17 =	vadd.f32 v21, v17;
	v11 =	vadd.f32 v11, v20;
	v20 =	vunpack.i.u.bf16.f32 v6  }
0xcb: {  	v10 =	vadd.bf16 v10, v18;
	v6 =	vunpack.i.l.bf16.f32 v6;
	v18 =	vadd.bf16 v27, v23  }
0xcc: {  	v14 =	vunpack.i.l.bf16.f32 v14;
	v6 =	vadd.f32 v6, v17;
	v11 =	vadd.f32 v20, v11  }
0xcd: {  	v17 =	vunpack.i.u.bf16.f32 v10;
	v15 =	vadd.bf16 v15, v18;
	v16 =	vadd.bf16 v19, v16  }
0xce: {  	v8 =	vunpack.i.l.bf16.f32 v8;
	v10 =	vunpack.i.l.bf16.f32 v10;
	v12 =	vadd.f32 v12, v17  }
0xcf: {  	v17 =	vunpack.i.u.bf16.f32 v15;
	v15 =	vunpack.i.l.bf16.f32 v15;
	v18 =	vunpack.i.u.bf16.f32 v16  }
0xd0: {  	v10 =	vadd.f32 v14, v10;
	v14 =	vunpack.i.l.bf16.f32 v16;
	v19 =	vld.idx.msk [tilespmem:v25+s22+$0x0], $0xffff;
	v12 =	vadd.f32 v17, v12  }
0xd1: {  	v8 =	vadd.f32 v8, v9;
	v9 =	vadd.f32 v18, v11;
	v16 =	vld.idx.msk [tilespmem:v25+s21+$0x0], $0xffff  }
0xd2: {  	v10 =	vadd.f32 v15, v10;
	v6 =	vadd.f32 v14, v6  }
0xd3: {  	v9 =	vadd.f32 v9, v12  }
0xd4: {  	v7 =	vadd.f32 v8, v7;
	v6 =	vadd.f32 v6, v10  }
0xd5: {  	v8 =	vadd.f32 v9, v13  }
.Ltmp2:
0xd6: {  	v6 =	vadd.f32 v6, v7;
	(pc) =	sbr.rel @p0 .LBB2_7-.Ltmp2, $4  }
0xd7: {  	v7 =	vmul.f32 v8, v16;
	v8 =	vmul.f32 v19, v4  }
0xd8: {  	v9 =	vmul.f32 v19, v5;
	v6 =	vmul.f32 v6, v16  }
0xd9: {  	v7 =	vsub.f32 v7, v8  }
0xda: {  	v6 =	vsub.f32 v6, v9  }
0xdb: {  	_ = 	snop  }
0xdc: {  	v4 =	vperm.xlane v7, v1;
	v5 =	vperm.xlane v6, v1  }
0xdd: {  	v62 =	vperm.xlane v7, v3;
	v63 =	vperm.xlane v6, v3  }
0xde: {  	v4 =	vsel vm0, v5, v4  }
0xdf: {  	s0 =	sshll.u32 s26, $0x9;
	v5 =	vsel vm0, v63, v62;
	[tilespmem:s31+$0xFFFFFFF0] =	vst v4  }
0xe0: {  	p0 =	seq.s32 s26, $0x3;
	s0 =	sadd.s32 s0, s9;
	[tilespmem:s31+$0x0] =	vst v5  }
0xe1: {  	[hbm4b:s0+s5] =	stream.linear.scatter [tilespmem:s23], [sflag:$0x3], $0x800, $0x38;
	[tilespmem:$0x1D8A0] =	vst v63  }
0xe2: {  	s0 =	sadd.s32 @!p0 s29, s10  }
0xe3: {  	s0 =	smul.u32 @!p0 $0x32, s0  }
0xe4: {  	_ =	swait.ge [sflag:s14], $0x800  }
0xe5: {  	[sflag:s14] =	ssyncset.done $0x0;
	s0 =	sshrl.u32 @!p0 s0, $0x3  }
0xe6: {  	s4 =	simm.s32 @!p0 $0x0;
	[sflag:s14] =	ssyncadd.s32 $0xFFFFF800;
	s0 =	sadd.s32 @!p0 s1, s0  }
0xe7: {  	[tilespmem:s4], [sflag:$0x3] =	stream.linear.gather @!p0 [hbm4b:s0+s4], $0xC80, $0x38;
	[tilespmem:$0x1D8A0] =	vst v63  }
0xe8: {  	s0 =	simm.s32 @!p0 $0x3  }
0xe9: {  	_ =	swait.ge @!p0 [sflag:s0], $0xC80  }
0xea: {  	[sflag:s0] =	ssyncset.done @!p0 $0x0  }
0xeb: {  	[sflag:s0] =	ssyncadd.s32 @!p0 $0xFFFFF380;
	s0 =	simm.s32 @!p0 $0xC80  }
0xec: {  	[tilespmem:s0], [sflag:$0x1] =	stream.indirect.gather @!p0 [spmem:s3], $0x10, s4, s0, $0xb8;
	[tilespmem:$0x1D8A0] =	vst v63  }
0xed: {  	s0 =	simm.s32 $0x0  }
.LBB2_9:
0xee: {  	s4 =	smul.u32 $0x320, s0;
	_ =	sdelay $0x1  }
0xef: {  	s13 =	sadd.s32 $0x0, s4  }
0xf0: {  	v5 =	vadd.s32 s13, v0;
	_ =	sdelay $0x3  }
0xf1: {  	s29 =	sadd.s32 $0x1, s4  }
0xf2: {  	v6 =	vadd.s32 s29, v0;
	v5 =	vld.idx.msk [tilespmem:v5+s18+$0x0], $0xffff  }
0xf3: {  	v4 =	vimm.s32 $0x0;
	s13 =	simm.s32 $0x2  }
.LBB2_10:
0xf4: {  	p0 =	sne.s32 s13, $0x31  }
.Ltmp3:
0xf5: {  	_ = 	snop;
	(pc) =	sbr.rel @p0 .LBB2_10-.Ltmp3, $4  }
0xf6: {  	_ = 	snop  }
0xf7: {  	s29 =	sadd.s32 s4, s13;
	s13 =	sadd.s32 $0x1, s13;
	vm1 =	vne.s32 v5, $0x0;
	v5 =	vld.idx.msk [tilespmem:v6+s18+$0x0], $0xffff  }
0xf8: {  	v6 =	vadd.s32 s29, v0;
	v7 =	vsel vm1, $0x1, v2  }
0xf9: {  	v4 =	vadd.s32 v7, v4  }
0xfa: {  	_ =	sdelay $0x3  }
0xfb: {  	v6 =	vld.idx.msk [tilespmem:v6+s18+$0x0], $0xffff;
	_ =	sdelay $0x3  }
0xfc: {  	vm1 =	vne.s32 v5, $0x0  }
0xfd: {  	v5 =	vsel vm1, $0x1, v2;
	vm1 =	vne.s32 v6, $0x0  }
0xfe: {  	v4 =	vadd.s32 v5, v4;
	v5 =	vsel vm1, $0x1, v2  }
0xff: {  	v4 =	vadd.s32 v5, v4  }
0x100: {  	v4 =	vcvt.s32.f32 v4;
	_ =	sdelay $0x1  }
0x101: {  	v5 =	vmax.f32 v4, $1.000000000e+00  }
0x102: {  	(erf) = vrcp.f32 v5;
	_ =	sdelay $0x5  }
0x103: {  	s4 =	sshll.u32 s0, $0x4;
	s0 =	sadd.s32 $0x1, s0  }
0x104: {  	p0 =	sne.s32 s0, $0x4  }
.Ltmp4:
0x105: {  	v4 =	vsub.f32 $5.000000000e+01, v4;
	(pc) =	sbr.rel @p0 .LBB2_9-.Ltmp4, $4  }
0x106: {  	v5 =	vpop (erf)  }
0x107: {  	v4 =	vmul.f32 v5, v4  }
0x108: {  	[tilespmem:s4+$0x1B100] =	vst v5  }
0x109: {  	[tilespmem:s4+$0x1B140] =	vst v4  }
0x10a: {  	v5 =	vld [tilespmem:$0x1B180];
	_ =	swait.ge [sflag:s24], $0xC800  }
0x10b: {  	[sflag:s24] =	ssyncset.done $0x0  }
0x10c: {  	s29 =	simm.s32 $0xE290;
	[sflag:s24] =	ssyncadd.s32 $0xFFFF3800  }
0x10d: {  	v4 =	vld [tilespmem:s29+$0x80]  }
0x10e: {  	v6 =	vld [tilespmem:s29+$0x70]  }
0x10f: {  	v7 =	vld [tilespmem:s29+$0x140]  }
0x110: {  	v8 =	vld [tilespmem:s29+$0x130]  }
0x111: {  	v9 =	vld [tilespmem:s29+$0x100]  }
0x112: {  	v10 =	vld [tilespmem:s29+$0xFFFFFF90]  }
0x113: {  	v11 =	vld [tilespmem:s29+$0xF0]  }
0x114: {  	v12 =	vld [tilespmem:s29+$0xFFFFFF80]  }
0x115: {  	v13 =	vld [tilespmem:s29+$0xFFFFFF70]  }
0x116: {  	v14 =	vld [tilespmem:s29+$0xFFFFFF60]  }
0x117: {  	v15 =	vld [tilespmem:s29+$0xFFFFFF50]  }
0x118: {  	v16 =	vld [tilespmem:s29+$0xFFFFFFF0]  }
0x119: {  	v17 =	vld [tilespmem:s29+$0xA0]  }
0x11a: {  	v18 =	vld [tilespmem:s29+$0x50]  }
0x11b: {  	v19 =	vld [tilespmem:s29+$0xFFFFFFD0]  }
0x11c: {  	v20 =	vld [tilespmem:s29+$0x20]  }
0x11d: {  	v21 =	vld [tilespmem:s29+$0x10]  }
0x11e: {  	v22 =	vld [tilespmem:s29+$0x0]  }
0x11f: {  	v23 =	vld [tilespmem:s29+$0x120]  }
0x120: {  	v24 =	vld [tilespmem:s29+$0x110]  }
0x121: {  	v25 =	vld [tilespmem:s29+$0x90]  }
0x122: {  	v26 =	vld [tilespmem:s29+$0x160]  }
0x123: {  	v27 =	vld [tilespmem:s29+$0x150]  }
0x124: {  	v28 =	vld [tilespmem:s29+$0xFFFFFFA0]  }
0x125: {  	v29 =	vld [tilespmem:s29+$0x30]  }
0x126: {  	v30 =	vld [tilespmem:s29+$0xFFFFFFC0]  }
0x127: {  	v31 =	vld [tilespmem:s29+$0xFFFFFFB0]  }
0x128: {  	v52 =	vld [tilespmem:s29+$0x60]  }
0x129: {  	v55 =	vld [tilespmem:s29+$0x40]  }
0x12a: {  	v56 =	vld [tilespmem:s29+$0xFFFFFF40]  }
0x12b: {  	v57 =	vld [tilespmem:s29+$0xFFFFFF30]  }
0x12c: {  	v58 =	vld [tilespmem:s29+$0xFFFFFF20]  }
0x12d: {  	v61 =	vld [tilespmem:s29+$0xFFFFFF00]  }
0x12e: {  	v62 =	vld [tilespmem:s29+$0xFFFFFEF0];
	v4 =	vadd.bf16 v4, v6  }
0x12f: {  	v35 =	vld [tilespmem:s29+$0xFFFFFEC0];
	v7 =	vadd.bf16 v7, v8;
	v8 =	vadd.bf16 v12, v13  }
0x130: {  	v38 =	vld [tilespmem:s29+$0xFFFFFEB0];
	v53 =	vadd.bf16 v17, v25;
	v54 =	vadd.bf16 v26, v27  }
0x131: {  	v46 =	vld [tilespmem:s29+$0xB0];
	v10 =	vadd.bf16 v28, v10;
	v23 =	vadd.bf16 v23, v24  }
0x132: {  	v48 =	vld [tilespmem:s29+$0xC0];
	v16 =	vadd.bf16 v22, v16;
	v20 =	vadd.bf16 v20, v21  }
0x133: {  	v60 =	vld [tilespmem:s29+$0xFFFFFF10];
	v59 =	vadd.bf16 v30, v31;
	v12 =	vadd.bf16 v52, v18  }
0x134: {  	v33 =	vld [tilespmem:s29+$0xFFFFFE70];
	v14 =	vadd.bf16 v14, v15;
	v63 =	vadd.bf16 v55, v29  }
0x135: {  	v41 =	vld [tilespmem:s29+$0xE0];
	v9 =	vadd.bf16 v9, v11;
	v26 =	vadd.bf16 v56, v57  }
0x136: {  	v43 =	vld [tilespmem:s29+$0xD0];
	v15 =	vadd.bf16 v61, v62;
	v17 =	vadd.bf16 v35, v38  }
0x137: {  	v6 =	vld [tilespmem:s29+$0xFFFFFFE0];
	v56 =	vadd.bf16 v48, v46;
	v16 =	vadd.bf16 v20, v16  }
0x138: {  	v25 =	vld [tilespmem:s29+$0xFFFFFEE0];
	v8 =	vadd.bf16 v10, v8;
	v12 =	vadd.bf16 v12, v63  }
0x139: {  	s0 =	simm.s32 $0x0;
	v27 =	vld [tilespmem:s29+$0xFFFFFED0];
	v9 =	vadd.bf16 v23, v9;
	v14 =	vadd.bf16 v14, v26  }
0x13a: {  	v28 =	vld [tilespmem:s29+$0xFFFFFEA0];
	v55 =	vmov s0;
	v7 =	vadd.bf16 v54, v7;
	v4 =	vadd.bf16 v53, v4  }
0x13b: {  	v29 =	vld [tilespmem:s29+$0xFFFFFE90];
	v20 =	vadd.bf16 v41, v43;
	v30 =	vunpack.i.u.bf16.f32 v12;
	v12 =	vunpack.i.l.bf16.f32 v12  }
0x13c: {  	v31 =	vld [tilespmem:s29+$0xFFFFFE80];
	v32 =	vunpack.i.u.bf16.f32 v14;
	v14 =	vunpack.i.l.bf16.f32 v14;
	v37 =	vunpack.i.u.bf16.f32 v7  }
0x13d: {  	v39 =	vunpack.i.u.bf16.f32 v16;
	v16 =	vunpack.i.l.bf16.f32 v16;
	v47 =	vunpack.i.u.bf16.f32 v9  }
0x13e: {  	v51 =	vld [tilespmem:s29+$0x180];
	v9 =	vunpack.i.l.bf16.f32 v9;
	v6 =	vadd.bf16 v6, v19;
	v19 =	vadd.bf16 v58, v60  }
0x13f: {  	v53 =	vld [tilespmem:s29+$0x170];
	v52 =	vunpack.i.l.bf16.f32 v8;
	v12 =	vadd.f32 v12, v14;
	v34 =	vadd.f32 v30, v32  }
0x140: {  	v8 =	vunpack.i.u.bf16.f32 v8;
	v10 =	vadd.bf16 v25, v27;
	v40 =	vadd.bf16 v28, v29  }
0x141: {  	v57 =	vunpack.i.l.bf16.f32 v4;
	v45 =	vadd.bf16 v31, v33;
	v6 =	vadd.bf16 v6, v59  }
0x142: {  	v4 =	vunpack.i.u.bf16.f32 v4;
	v36 =	vadd.bf16 v19, v15;
	v14 =	vadd.f32 v37, v34  }
0x143: {  	v7 =	vunpack.i.l.bf16.f32 v7;
	v15 =	vadd.bf16 v40, v45;
	v10 =	vadd.bf16 v10, v17  }
0x144: {  	v13 =	vadd.bf16 v51, v53;
	v7 =	vadd.f32 v7, v12;
	v42 =	vunpack.i.u.bf16.f32 v36  }
0x145: {  	v11 =	vunpack.i.l.bf16.f32 v36;
	v50 =	vunpack.i.u.bf16.f32 v6;
	v54 =	vunpack.i.u.bf16.f32 v15  }
0x146: {  	v15 =	vunpack.i.l.bf16.f32 v15;
	v6 =	vunpack.i.l.bf16.f32 v6;
	v11 =	vadd.f32 v16, v11  }
0x147: {  	v58 =	vunpack.i.u.bf16.f32 v10;
	v44 =	vadd.f32 v39, v42;
	v8 =	vadd.f32 v8, v54  }
0x148: {  	v10 =	vunpack.i.l.bf16.f32 v10;
	v15 =	vadd.f32 v52, v15;
	v16 =	vadd.f32 v50, v58  }
0x149: {  	v18 =	vunpack.i.u.bf16.f32 v13;
	v4 =	vadd.f32 v4, v8;
	v8 =	vadd.bf16 v20, v56  }
0x14a: {  	v13 =	vunpack.i.l.bf16.f32 v13;
	v6 =	vadd.f32 v6, v10;
	v9 =	vadd.f32 v9, v11  }
0x14b: {  	v49 =	vadd.f32 v47, v44;
	v15 =	vadd.f32 v57, v15;
	v59 =	vunpack.i.u.bf16.f32 v8  }
0x14c: {  	v61 =	vld.idx.msk [tilespmem:v55+s22+$0x0], $0xffff;
	v8 =	vunpack.i.l.bf16.f32 v8;
	v4 =	vadd.f32 v18, v4;
	v60 =	vadd.f32 v59, v16  }
0x14d: {  	v62 =	vld.idx.msk [tilespmem:v55+s21+$0x0], $0xffff;
	v6 =	vadd.f32 v8, v6;
	v8 =	vadd.f32 v13, v15  }
0x14e: {  	v11 =	vadd.f32 v14, v49;
	v4 =	vadd.f32 v4, v60  }
0x14f: {  	v7 =	vadd.f32 v7, v9;
	v6 =	vadd.f32 v8, v6  }
0x150: {  	v8 =	vadd.f32 v4, v11  }
0x151: {  	v4 =	vunpack.i.u.bf16.f32 v5;
	v6 =	vadd.f32 v6, v7  }
0x152: {  	v5 =	vunpack.i.l.bf16.f32 v5;
	v7 =	vmul.f32 v8, v62;
	v8 =	vmul.f32 v61, v4  }
0x153: {  	v63 =	vmul.f32 v61, v5;
	v6 =	vmul.f32 v6, v62  }
0x154: {  	v7 =	vsub.f32 v7, v8  }
0x155: {  	s4 =	simm.s32 $0x1;
	s30 =	simm.s32 $0x1A910;
	s0 =	simm.s32 $0x1A910;
	v6 =	vsub.f32 v6, v63  }
.LBB2_13:
0x156: {  	p0 =	sne.s32 s4, $0x3F;
	v8 =	vperm.xlane v7, v1;
	v7 =	vperm.xlane v7, v3;
	s0 =	sadd.s32 $0x20, s0;
	s29 =	sadd.s32 $0x320, s29  }
0x157: {  	s13 =	smov.u32 s4;
	s4 =	sadd.s32 $0x1, s4;
	v9 =	vperm.xlane v6, v1;
	v6 =	vperm.xlane v6, v3;
	_ =	sdelay $0x1  }
0x158: {  	v8 =	vsel vm0, v9, v8;
	v6 =	vsel vm0, v6, v7  }
0x159: {  	[tilespmem:s30+$0xFFFFFFF0] =	vst v8  }
0x15a: {  	[tilespmem:s30+$0x0] =	vst v6;
	s30 =	smov.u32 s0  }
0x15b: {  	v6 =	vld [tilespmem:s29+$0x80]  }
0x15c: {  	v7 =	vld [tilespmem:s29+$0x70]  }
0x15d: {  	v8 =	vld [tilespmem:s29+$0x140]  }
0x15e: {  	v9 =	vld [tilespmem:s29+$0x130]  }
0x15f: {  	v10 =	vld [tilespmem:s29+$0x100]  }
0x160: {  	v11 =	vld [tilespmem:s29+$0xFFFFFF90]  }
0x161: {  	v6 =	vadd.bf16 v6, v7;
	v7 =	vld [tilespmem:s29+$0xF0]  }
0x162: {  	v12 =	vld [tilespmem:s29+$0xFFFFFF80]  }
0x163: {  	v13 =	vld [tilespmem:s29+$0xFFFFFF70];
	v8 =	vadd.bf16 v8, v9  }
0x164: {  	v9 =	vld [tilespmem:s29+$0xFFFFFF60]  }
0x165: {  	v14 =	vld [tilespmem:s29+$0xFFFFFF50]  }
0x166: {  	v15 =	vld [tilespmem:s29+$0xFFFFFFF0]  }
0x167: {  	v16 =	vld [tilespmem:s29+$0xA0]  }
0x168: {  	v12 =	vadd.bf16 v12, v13;
	v13 =	vld [tilespmem:s29+$0x50]  }
0x169: {  	v17 =	vld [tilespmem:s29+$0xFFFFFFD0]  }
0x16a: {  	v18 =	vld [tilespmem:s29+$0x20]  }
0x16b: {  	v19 =	vld [tilespmem:s29+$0x10]  }
0x16c: {  	v20 =	vld [tilespmem:s29+$0x0]  }
0x16d: {  	v21 =	vld [tilespmem:s29+$0x120]  }
0x16e: {  	v22 =	vld [tilespmem:s29+$0x110]  }
0x16f: {  	v23 =	vld [tilespmem:s29+$0x90]  }
0x170: {  	v24 =	vld [tilespmem:s29+$0x160]  }
0x171: {  	v25 =	vld [tilespmem:s29+$0x150]  }
0x172: {  	v26 =	vld [tilespmem:s29+$0xFFFFFFA0]  }
0x173: {  	v27 =	vld [tilespmem:s29+$0x30]  }
0x174: {  	v28 =	vld [tilespmem:s29+$0xFFFFFFC0]  }
0x175: {  	v29 =	vld [tilespmem:s29+$0xFFFFFFB0]  }
0x176: {  	v30 =	vld [tilespmem:s29+$0xFFFFFFE0]  }
0x177: {  	v16 =	vadd.bf16 v16, v23;
	v23 =	vadd.bf16 v24, v25;
	v31 =	vld [tilespmem:s29+$0x60]  }
0x178: {  	v11 =	vadd.bf16 v26, v11;
	v24 =	vld [tilespmem:s29+$0x40]  }
0x179: {  	v21 =	vadd.bf16 v21, v22;
	v25 =	vld [tilespmem:s29+$0xFFFFFF40]  }
0x17a: {  	v18 =	vadd.bf16 v18, v19;
	v15 =	vadd.bf16 v20, v15;
	v22 =	vld [tilespmem:s29+$0xFFFFFF30]  }
0x17b: {  	v20 =	vadd.bf16 v28, v29;
	v19 =	vld [tilespmem:s29+$0xFFFFFF20];
	v17 =	vadd.bf16 v30, v17  }
0x17c: {  	v15 =	vadd.bf16 v18, v15;
	v26 =	vld [tilespmem:s29+$0xFFFFFF10];
	v13 =	vadd.bf16 v31, v13  }
0x17d: {  	v9 =	vadd.bf16 v9, v14;
	v18 =	vld [tilespmem:s29+$0xFFFFFF00];
	v14 =	vadd.bf16 v17, v20  }
0x17e: {  	v7 =	vadd.bf16 v10, v7;
	v20 =	vadd.bf16 v24, v27;
	v17 =	vld [tilespmem:s29+$0xFFFFFEF0]  }
0x17f: {  	v11 =	vadd.bf16 v11, v12;
	v10 =	vld [tilespmem:s29+$0xFFFFFEE0];
	v22 =	vadd.bf16 v25, v22;
	v12 =	vunpack.i.u.bf16.f32 v14  }
0x180: {  	v7 =	vadd.bf16 v21, v7;
	v13 =	vadd.bf16 v13, v20;
	v24 =	vld [tilespmem:s29+$0xFFFFFED0]  }
0x181: {  	v20 =	vld [tilespmem:s29+$0xFFFFFEA0];
	v19 =	vadd.bf16 v19, v26;
	v9 =	vadd.bf16 v9, v22  }
0x182: {  	v8 =	vadd.bf16 v23, v8;
	v22 =	vunpack.i.u.bf16.f32 v13;
	v13 =	vunpack.i.l.bf16.f32 v13;
	v21 =	vld [tilespmem:s29+$0xFFFFFE90]  }
0x183: {  	v23 =	vld [tilespmem:s29+$0xFFFFFE80];
	v17 =	vadd.bf16 v18, v17;
	v18 =	vunpack.i.u.bf16.f32 v9;
	v9 =	vunpack.i.l.bf16.f32 v9  }
0x184: {  	v25 =	vld [tilespmem:s29+$0xFFFFFE70];
	v9 =	vadd.f32 v13, v9;
	v13 =	vadd.f32 v22, v18  }
0x185: {  	v18 =	vld [tilespmem:s29+$0xFFFFFEC0];
	v10 =	vadd.bf16 v10, v24;
	v17 =	vadd.bf16 v19, v17;
	v19 =	vunpack.i.u.bf16.f32 v8  }
0x186: {  	v24 =	vunpack.i.u.bf16.f32 v15;
	v15 =	vunpack.i.l.bf16.f32 v15;
	v22 =	vld [tilespmem:s29+$0xFFFFFEB0];
	v13 =	vadd.f32 v19, v13  }
0x187: {  	v19 =	vadd.bf16 v20, v21;
	v20 =	vld [tilespmem:s29+$0xE0];
	v21 =	vunpack.i.u.bf16.f32 v17;
	v17 =	vunpack.i.l.bf16.f32 v17  }
0x188: {  	v26 =	vld [tilespmem:s29+$0xD0];
	v15 =	vadd.f32 v15, v17;
	v17 =	vadd.f32 v24, v21  }
0x189: {  	v24 =	vunpack.i.u.bf16.f32 v7;
	v7 =	vunpack.i.l.bf16.f32 v7;
	v21 =	vadd.bf16 v23, v25;
	v23 =	vld [tilespmem:s29+$0xB0]  }
0x18a: {  	v25 =	vmov s13;
	v27 =	vld [tilespmem:s29+$0xC0];
	v7 =	vadd.f32 v7, v15;
	v15 =	vadd.f32 v24, v17  }
0x18b: {  	v17 =	vadd.bf16 v19, v21;
	v18 =	vadd.bf16 v18, v22;
	v19 =	vld [tilespmem:s29+$0x180];
	v21 =	vunpack.i.l.bf16.f32 v11  }
0x18c: {  	v6 =	vadd.bf16 v16, v6;
	v11 =	vunpack.i.u.bf16.f32 v11;
	v16 =	vld [tilespmem:s29+$0x170];
	v13 =	vadd.f32 v13, v15  }
0x18d: {  	v15 =	vadd.bf16 v20, v26;
	v20 =	vunpack.i.u.bf16.f32 v17;
	v17 =	vunpack.i.l.bf16.f32 v17  }
0x18e: {  	v17 =	vadd.f32 v21, v17;
	v11 =	vadd.f32 v11, v20;
	v20 =	vunpack.i.u.bf16.f32 v6  }
0x18f: {  	v10 =	vadd.bf16 v10, v18;
	v6 =	vunpack.i.l.bf16.f32 v6;
	v18 =	vadd.bf16 v27, v23  }
0x190: {  	v14 =	vunpack.i.l.bf16.f32 v14;
	v6 =	vadd.f32 v6, v17;
	v11 =	vadd.f32 v20, v11  }
0x191: {  	v17 =	vunpack.i.u.bf16.f32 v10;
	v15 =	vadd.bf16 v15, v18;
	v16 =	vadd.bf16 v19, v16  }
0x192: {  	v8 =	vunpack.i.l.bf16.f32 v8;
	v10 =	vunpack.i.l.bf16.f32 v10;
	v12 =	vadd.f32 v12, v17  }
0x193: {  	v17 =	vunpack.i.u.bf16.f32 v15;
	v15 =	vunpack.i.l.bf16.f32 v15;
	v18 =	vunpack.i.u.bf16.f32 v16  }
0x194: {  	v10 =	vadd.f32 v14, v10;
	v14 =	vunpack.i.l.bf16.f32 v16;
	v19 =	vld.idx.msk [tilespmem:v25+s22+$0x0], $0xffff;
	v12 =	vadd.f32 v17, v12  }
0x195: {  	v8 =	vadd.f32 v8, v9;
	v9 =	vadd.f32 v18, v11;
	v16 =	vld.idx.msk [tilespmem:v25+s21+$0x0], $0xffff  }
0x196: {  	v10 =	vadd.f32 v15, v10;
	v6 =	vadd.f32 v14, v6  }
0x197: {  	v9 =	vadd.f32 v9, v12  }
0x198: {  	v7 =	vadd.f32 v8, v7;
	v6 =	vadd.f32 v6, v10  }
0x199: {  	v8 =	vadd.f32 v9, v13  }
.Ltmp5:
0x19a: {  	v6 =	vadd.f32 v6, v7;
	(pc) =	sbr.rel @p0 .LBB2_13-.Ltmp5, $4  }
0x19b: {  	v7 =	vmul.f32 v8, v16;
	v8 =	vmul.f32 v19, v4  }
0x19c: {  	v9 =	vmul.f32 v19, v5;
	v6 =	vmul.f32 v6, v16  }
0x19d: {  	v7 =	vsub.f32 v7, v8  }
0x19e: {  	v6 =	vsub.f32 v6, v9  }
0x19f: {  	_ = 	snop  }
0x1a0: {  	v4 =	vperm.xlane v7, v1;
	v5 =	vperm.xlane v6, v1  }
0x1a1: {  	v62 =	vperm.xlane v7, v3;
	v63 =	vperm.xlane v6, v3  }
0x1a2: {  	s0 =	sshll.u32 s28, $0x2;
	s26 =	sadd.s32 $0x1, s26;
	v4 =	vsel vm0, v5, v4  }
0x1a3: {  	s0 =	sand.u32 $0x1FFFFF00, s0;
	p0 =	sne.s32 s26, $0x4;
	v5 =	vsel vm0, v63, v62;
	[tilespmem:s30+$0xFFFFFFF0] =	vst v4  }
.Ltmp6:
0x1a4: {  	s0 =	sadd.s32 s2, s0;
	[tilespmem:s30+$0x0] =	vst v5;
	(pc) =	sbr.rel @p0 .LBB2_2-.Ltmp6, $4  }
0x1a5: {  	[hbm4b:s0+s5] =	stream.linear.scatter [tilespmem:s23], [sflag:$0x3], $0x800, $0x38;
	[tilespmem:$0x1D8A0] =	vst v63  }
0x1a6: {  	_ =	swait.ge [sflag:s14], $0x800  }
0x1a7: {  	[sflag:s14] =	ssyncset.done $0x0  }
0x1a8: {  	[sflag:s14] =	ssyncadd.s32 $0xFFFFF800  }
0x1a9: {  	s25 =	sadd.s32 $0x1, s25  }
0x1aa: {  	p0 =	sne.s32 s25, s11  }
.Ltmp7:
0x1ab: {  	_ = 	snop;
	(pc) =	sbr.rel @p0 .LBB2_1-.Ltmp7, $1  }
0x1ac: {  	_ =	sdelay $0x3  }
0x1ad: {  	_ =	sfence.sel $0x180000  }
0x1ae: {  	[bflag:$0x0] =	sbarrier.arrive $0xFFFF  }
0x1af: {  	_ =	strace $0x90000047  }
0x1b0: {  	s0 =	stileid.u32;
	[bflag:$0x2] =	sbarrier.arrive $0xFFFF  }
0x1b1: {  	p0 =	sne.s32 s0, $0x0;
	s0 =	rddreg [dreg:$0x4]  }
0x1b2: {  	s0 =	sadd.s32 @!p0 $0x100000, s0  }
0x1b3: {  	[sflag:s0] =	ssyncadd.tile.s32 @!p0 $0x1;
	_ =	shalt  }
.Lfunc_end2:
_tile_overlayer_lowered:
.L_overlay_start_2:
0x1b4: {  	(tag) =	ssettag $0x2  }
0x1b5: {  	s0 =	rddreg [dreg:$0x0];
	s2 =	stileid.u32  }
0x1b6: {  	s1 =	rddreg [dreg:$0x1];
	p0 =	sne.s32 s2, $0x0  }
0x1b7: {  	s3 =	rddreg [dreg:$0x2];
	[bflag:$0x3] =	sbarrier.arrive $0xFFFF;
	s2 =	simm.s32 @!p0 $0x1C03  }
0x1b8: {  	[timem:s3], [sflag:s2] =	dma.local @!p0 [hbm:s0], s1  }
0x1b9: {  	s0 =	simm.s32 @!p0 $0x3  }
0x1ba: {  	_ =	swait.ge @!p0 [sflag:s0], s1  }
0x1bb: {  	s1 =	ssub.s32 @!p0 $0x0, s1;
	[sflag:s0] =	ssyncset.done @!p0 $0x0  }
0x1bc: {  	[sflag:s0] =	ssyncadd.s32 @!p0 s1  }
0x1bd: {  	[bflag:$0x3] =	sbarrier.arrive $0xFFFF  }
0x1be: {  	_ =	shalt  }

</sc_bundles>
